<compile_context>
chip_gen: v7x
topology: tpu7x:2x2x1
jax: 0.10.2.dev20260603
libtpu: 0.0.44.dev20260713+nightly
codegen_flags: <defaults>
</compile_context>

<pallas_src>
import functools

import jax
import jax.numpy as jnp
from jax import lax
from jax.experimental import pallas as pl
from jax.experimental.pallas import tpu as pltpu
from jax.experimental.pallas import tpu_sc as plsc

EPS = 1e-5

_NC = 2
_NS = 16
_CHUNK = 128


def _onehot(nt_ref, t):
    bn = nt_ref.shape[0]
    ids = lax.broadcasted_iota(jnp.int32, (bn, t), 1)
    return (nt_ref[...] == ids).astype(jnp.float32)


def _ln_act(xb, oh, g_ref, b_ref):
    mu = jnp.mean(xb, axis=-1, keepdims=True)
    var = jnp.mean((xb - mu) ** 2, axis=-1, keepdims=True)
    h = (xb - mu) * lax.rsqrt(var + EPS)
    g = jnp.dot(oh, g_ref[...], preferred_element_type=jnp.float32)
    b = jnp.dot(oh, b_ref[...], preferred_element_type=jnp.float32)
    return jax.nn.relu(h * g + b)


def _stage_a_body(x_ref, nt_ref, g1_ref, b1_ref, w_ref, out_ref):
    d = x_ref.shape[1]
    r = w_ref.shape[1] // d
    oh = _onehot(nt_ref, g1_ref.shape[0])
    y = _ln_act(x_ref[...], oh, g1_ref, b1_ref)
    hs = jnp.dot(y, w_ref[...], preferred_element_type=jnp.float32)
    for i in range(r):
        out_ref[i] = hs[:, i * d:(i + 1) * d]


def _stage_c_body(x_ref, a_ref, nt_ref, g2_ref, b2_ref, wm_ref, bm_ref, out_ref):
    d = x_ref.shape[1]
    t = wm_ref.shape[1] // d
    x2 = x_ref[...] + a_ref[0] + a_ref[1]
    oh = _onehot(nt_ref, t)
    y = _ln_act(x2, oh, g2_ref, b2_ref)
    z = jnp.dot(y, wm_ref[...], preferred_element_type=jnp.float32)
    acc = x2 + jnp.dot(oh, bm_ref[...], preferred_element_type=jnp.float32)
    for i in range(t):
        acc = acc + oh[:, i][:, None] * z[:, i * d:(i + 1) * d]
    out_ref[...] = acc


def _make_sc_scatter(npad, ec, ch0, ch1, d):
    rows_per = npad // _NS
    b1 = _NS * ch0
    mesh = plsc.VectorSubcoreMesh(core_axis_name="c", subcore_axis_name="s")

    @functools.partial(
        pl.kernel,
        mesh=mesh,
        out_type=jax.ShapeDtypeStruct((_NC, npad, d), jnp.float32),
        scratch_types=[
            pltpu.VMEM((2, _CHUNK), jnp.int32),
            pltpu.VMEM((2, _CHUNK), jnp.int32),
            pltpu.VMEM((2, _CHUNK, d), jnp.float32),
            pltpu.VMEM_SHARED((npad, d), jnp.float32),
        ] + [pltpu.SemaphoreType.DMA] * 4,
    )
    def sc_scatter(hs, gidx, didx, zeros, out, dv, gq, rows, acc, *sems):
        c = lax.axis_index("c")
        s = lax.axis_index("s")
        base = lax.select(c == 0, s * ch0, b1 + s * ch1)
        chc = lax.select(c == 0, jnp.int32(ch0), jnp.int32(ch1))
        nch = lax.max(0, lax.min(chc, ec - base))
        isems = sems[0:2]
        gsems = sems[2:4]
        pltpu.sync_copy(zeros, acc.at[pl.ds(s * rows_per, rows_per)])
        plsc.subcore_barrier()

        def load_idx(j, b):
            pltpu.async_copy(gidx.at[base + j], gq.at[b], isems[b])
            pltpu.async_copy(didx.at[base + j], dv.at[b], isems[b])

        def wait_idx(j, b):
            pltpu.make_async_copy(gidx.at[base + j], gq.at[b],
                                  isems[b]).wait()
            pltpu.make_async_copy(didx.at[base + j], dv.at[b],
                                  isems[b]).wait()

        def fire_gather(b):
            pltpu.async_copy(hs.at[gq.at[b]], rows.at[b], gsems[b])

        def finish_chunk(b):
            pltpu.make_async_copy(hs.at[gq.at[b]], rows.at[b],
                                  gsems[b]).wait()
            pltpu.sync_copy(rows.at[b], acc.at[dv.at[b]], add=True)

        @pl.when(nch > 0)
        def _():
            load_idx(0, 0)

            @pl.when(nch > 1)
            def _():
                load_idx(1, 1)
            wait_idx(0, 0)
            fire_gather(0)

        def body(j):
            for b in range(2):
                jj = j + b
                @pl.when(jj + 1 < nch)
                def _():
                    wait_idx(jj + 1, 1 - b)
                    fire_gather(1 - b)

                finish_chunk(b)

                @pl.when(jj + 2 < nch)
                def _():
                    load_idx(jj + 2, b)

        pl.loop(0, nch & ~1, step=2)(body)
        @pl.when(nch % 2 == 1)
        def _():
            finish_chunk(0)
        plsc.subcore_barrier()
        pltpu.sync_copy(acc.at[pl.ds(s * rows_per, rows_per)],
                        out.at[c, pl.ds(s * rows_per, rows_per)])

    return sc_scatter


def kernel(x, adj_t, node_type, edge_type, gamma1, beta1, W_conv, gamma2,
           beta2, W_mlp, b_mlp):
    n, d = x.shape
    r = W_conv.shape[0]
    t = W_mlp.shape[0]
    e = edge_type.shape[0]

    nt2 = node_type.astype(jnp.int32).reshape(n, 1)

    bn = 2000
    grid_a = n // bn
    hs = pl.pallas_call(
        _stage_a_body,
        grid=(grid_a,),
        in_specs=[
            pl.BlockSpec((bn, d), lambda i: (i, 0)),
            pl.BlockSpec((bn, 1), lambda i: (i, 0)),
            pl.BlockSpec((t, d), lambda i: (0, 0)),
            pl.BlockSpec((t, d), lambda i: (0, 0)),
            pl.BlockSpec((d, r * d), lambda i: (0, 0)),
        ],
        out_specs=pl.BlockSpec((r, bn, d), lambda i: (0, i, 0)),
        out_shape=jax.ShapeDtypeStruct((r, n, d), jnp.float32),
    )(x, nt2, gamma1, beta1,
      jnp.moveaxis(W_conv, 0, 1).reshape(d, r * d))
    hs_flat = hs.reshape(r * n, d)

    assert e % _CHUNK == 0
    ec = e // _CHUNK
    ch0 = round(0.51 * ec / _NS)
    ch1 = -(-(ec - _NS * ch0) // _NS)
    npad = -(-n // (_NS * 8)) * (_NS * 8)
    assert (npad // _NS) % 8 == 0

    adjv = jnp.swapaxes(adj_t.astype(jnp.int32).reshape(2, ec, _CHUNK), 0, 1)
    etv = edge_type.astype(jnp.int32).reshape(ec, _CHUNK)
    gidx2 = etv * n + adjv[:, 0, :]
    didx2 = adjv[:, 1, :]
    zeros = jnp.zeros((npad // _NS, d), jnp.float32)

    agg2 = _make_sc_scatter(npad, ec, ch0, ch1, d)(hs_flat, gidx2, didx2,
                                                   zeros)

    out = pl.pallas_call(
        _stage_c_body,
        grid=(grid_a,),
        in_specs=[
            pl.BlockSpec((bn, d), lambda i: (i, 0)),
            pl.BlockSpec((_NC, bn, d), lambda i: (0, i, 0)),
            pl.BlockSpec((bn, 1), lambda i: (i, 0)),
            pl.BlockSpec((t, d), lambda i: (0, 0)),
            pl.BlockSpec((t, d), lambda i: (0, 0)),
            pl.BlockSpec((d, t * d), lambda i: (0, 0)),
            pl.BlockSpec((t, d), lambda i: (0, 0)),
        ],
        out_specs=pl.BlockSpec((bn, d), lambda i: (i, 0)),
        out_shape=jax.ShapeDtypeStruct((n, d), jnp.float32),
    )(x, agg2, nt2, gamma2, beta2,
      jnp.moveaxis(W_mlp, 0, 1).reshape(d, t * d), b_mlp)
    return out

# --- scband reference (transcript-rebuilt; emitter-appended) ---
"""Pipeline reference for scband-hetero-residual-block-22789096472878 (READ-ONLY COPY).

The authoritative reference and input builder live on the scoring server;
editing this copy changes nothing except your own understanding.
"""

import jax, jax.numpy as jnp
import numpy as np

N = 10000
E = 320000
D = 128
T = 3  # node types
R = 4  # edge types
EPS = 1e-5


def setup_inputs(seed: int = 0) -> dict:
    key = jax.random.key(seed)
    ks = jax.random.split(key, 12)
    x = jax.random.normal(ks[0], (N, D), dtype=jnp.float32)
    adj_t = jax.random.randint(ks[1], (2, E), 0, N, dtype=jnp.int64)
    node_type = jax.random.randint(ks[2], (N,), 0, T, dtype=jnp.int64)
    edge_type = jax.random.randint(ks[3], (E,), 0, R, dtype=jnp.int64)
    # learned parameters
    gamma1 = jnp.ones((T, D), dtype=jnp.float32) + 0.01 * jax.random.normal(ks[4], (T, D), dtype=jnp.float32)
    beta1 = 0.01 * jax.random.normal(ks[5], (T, D), dtype=jnp.float32)
    W_conv = jax.random.normal(ks[6], (R, D, D), dtype=jnp.float32) / np.sqrt(D)
    gamma2 = jnp.ones((T, D), dtype=jnp.float32) + 0.01 * jax.random.normal(ks[7], (T, D), dtype=jnp.float32)
    beta2 = 0.01 * jax.random.normal(ks[8], (T, D), dtype=jnp.float32)
    W_mlp = jax.random.normal(ks[9], (T, D, D), dtype=jnp.float32) / np.sqrt(D)
    b_mlp = 0.01 * jax.random.normal(ks[10], (T, D), dtype=jnp.float32)
    return {"x": x, "adj_t": adj_t, "node_type": node_type, "edge_type": edge_type,
            "gamma1": gamma1, "beta1": beta1, "W_conv": W_conv,
            "gamma2": gamma2, "beta2": beta2, "W_mlp": W_mlp, "b_mlp": b_mlp}


def _hetero_ln(v, gamma, beta, node_type):
    mu = jnp.mean(v, axis=-1, keepdims=True)
    var = jnp.mean((v - mu) ** 2, axis=-1, keepdims=True)
    h = (v - mu) / jnp.sqrt(var + EPS)
    return h * gamma[node_type] + beta[node_type]


def reference(x, adj_t, node_type, edge_type, gamma1, beta1, W_conv, gamma2, beta2, W_mlp, b_mlp):
    # RES+ block: Norm -> Act -> Dropout(p=0, no-op) -> Conv -> Residual
    y = _hetero_ln(x, gamma1, beta1, node_type)
    y = jax.nn.relu(y)
    # hetero (relational) conv: per-relation transform, gather by (edge_type, src), scatter-add to dst
    hs = jnp.einsum('nd,rde->rne', y, W_conv)  # [R, N, D]
    src = adj_t[0]
    dst = adj_t[1]
    msgs = hs[edge_type, src]  # [E, D] gather
    agg = jax.ops.segment_sum(msgs, dst, num_segments=N)  # scatter-add
    x = x + agg
    # Norm -> Act -> Dropout(no-op) -> typed MLP -> Residual
    y = _hetero_ln(x, gamma2, beta2, node_type)
    y = jax.nn.relu(y)
    ht = jnp.einsum('nd,tde->tne', y, W_mlp) + b_mlp[:, None, :]  # [T, N, D]
    mlp_out = ht[node_type, jnp.arange(N)]  # select per-node-type output
    x = x + mlp_out
    return x

if __name__ == "__main__":
    import jax
    _d = setup_inputs()
    print(jax.jit(kernel)(*tuple(_d.values())))

</pallas_src>

<mosaic_0001>
#map = affine_map<(d0, d1) -> (0, 0)>
#map1 = affine_map<(d0, d1) -> (0, 0, 0)>
module attributes {stable_mosaic.version = 14 : i64} {
  func.func @sc_scatter(%arg0: i32, %arg1: i32, %arg2: memref<40000x128xf32, #tpu.memory_space<hbm>>, %arg3: memref<2500x128xi32, #tpu.memory_space<hbm>>, %arg4: memref<2500x128xi32, #tpu.memory_space<hbm>>, %arg5: memref<632x128xf32, #tpu.memory_space<hbm>>, %arg6: memref<2x10112x128xf32, #tpu.memory_space<hbm>>, %arg7: memref<2x128xi32, #tpu.memory_space<vmem>>, %arg8: memref<2x128xi32, #tpu.memory_space<vmem>>, %arg9: memref<2x128x128xf32, #tpu.memory_space<vmem>>, %arg10: memref<10112x128xf32, #tpu.memory_space<vmem_shared>>, %arg11: memref<!tpu.dma_semaphore, #tpu.memory_space<semaphore_mem>>, %arg12: memref<!tpu.dma_semaphore, #tpu.memory_space<semaphore_mem>>, %arg13: memref<!tpu.dma_semaphore, #tpu.memory_space<semaphore_mem>>, %arg14: memref<!tpu.dma_semaphore, #tpu.memory_space<semaphore_mem>>) attributes {dimension_semantics = [#tpu.dimension_semantics<core_parallel>, #tpu.dimension_semantics<subcore_parallel>], iteration_bounds = array<i64: 2, 16>, scalar_prefetch = 0 : i64, scratch_operands = 8 : i64, tpu.core_type = #tpu.core_type<sc_vector_subcore>, window_params = [{transform_indices = #map}, {transform_indices = #map}, {transform_indices = #map}, {transform_indices = #map}, {transform_indices = #map1}]} {
    %eq3A = arith.constant 0 : i32
    %eq3A_0 = arith.cmpi eq, %arg0, %eq3A : i32
    %mul3A = arith.constant 80 : i32
    %mul3A_1 = arith.muli %arg1, %mul3A : i32
    %mul3A_2 = arith.constant 77 : i32
    %mul3A_3 = arith.muli %arg1, %mul3A_2 : i32
    %add3A = arith.constant 1280 : i32
    %add3A_4 = arith.addi %add3A, %mul3A_3 : i32
    %select_n3A = arith.select %eq3A_0, %mul3A_1, %add3A_4 : i32
    %eq3A_5 = arith.constant 0 : i32
    %eq3A_6 = arith.cmpi eq, %arg0, %eq3A_5 : i32
    %select_n3A_7 = arith.constant 77 : i32
    %select_n3A_8 = arith.constant 80 : i32
    %select_n3A_9 = arith.select %eq3A_6, %select_n3A_8, %select_n3A_7 : i32
    %sub3A = arith.constant 2500 : i32
    %sub3A_10 = arith.subi %sub3A, %select_n3A : i32
    %min3A = arith.minsi %select_n3A_9, %sub3A_10 : i32
    %max3A = arith.constant 0 : i32
    %max3A_11 = arith.maxsi %max3A, %min3A : i32
    %mul3A_12 = arith.constant 632 : i32
    %mul3A_13 = arith.muli %arg1, %mul3A_12 : i32
    "tpu.region"() ({
      %run_scoped3A = tpu.sem_alloc : memref<!tpu.dma_semaphore, #tpu.memory_space<semaphore_mem>>
      %dma_start3A = arith.constant 0 : i32
      %dma_start3A_56 = tpu.memref_slice %arg10[%mul3A_13, %dma_start3A] : memref<10112x128xf32, #tpu.memory_space<vmem_shared>> -> memref<632x128xf32, #tpu.memory_space<vmem_shared>>
      tpu.enqueue_dma source(%arg5 : memref<632x128xf32, #tpu.memory_space<hbm>>) target(%dma_start3A_56 : memref<632x128xf32, #tpu.memory_space<vmem_shared>>) target_semaphore(%run_scoped3A : memref<!tpu.dma_semaphore, #tpu.memory_space<semaphore_mem>>)
      %dma_wait3A = arith.constant 0 : i32
      %dma_wait3A_57 = tpu.memref_slice %arg10[%mul3A_13, %dma_wait3A] : memref<10112x128xf32, #tpu.memory_space<vmem_shared>> -> memref<632x128xf32, #tpu.memory_space<vmem_shared>>
      tpu.wait_dma2 semaphore(%run_scoped3A : memref<!tpu.dma_semaphore, #tpu.memory_space<semaphore_mem>>) src(%arg5 : memref<632x128xf32, #tpu.memory_space<hbm>>) dst(%dma_wait3A_57 : memref<632x128xf32, #tpu.memory_space<vmem_shared>>)
      tpu.yield
    }) : () -> ()
    %barrier3A = arith.constant 0 : index
    tpu.barrier barrier_id(%barrier3A)
    %gt3A = arith.constant 0 : i32
    %gt3A_14 = arith.cmpi sgt, %max3A_11, %gt3A : i32
    %convert_element_type3A = arith.extui %gt3A_14 : i1 to i32
    %cond3A = arith.constant 0 : i32
    %cond3A_15 = arith.cmpi ne, %convert_element_type3A, %cond3A : i32
    scf.if %cond3A_15 {
      %add3A_56 = arith.constant 0 : i32
      %add3A_57 = arith.addi %select_n3A, %add3A_56 : i32
      %dma_start3A = arith.constant 0 : i32
      %dma_start3A_58 = arith.constant 0 : i32
      %dma_start3A_59 = tpu.memref_slice %arg8[%dma_start3A, %dma_start3A_58] : memref<2x128xi32, #tpu.memory_space<vmem>> -> memref<1x128xi32, #tpu.memory_space<vmem>>
      %dma_start3A_60 = tpu.memref_squeeze %dma_start3A_59 : memref<1x128xi32, #tpu.memory_space<vmem>> -> memref<128xi32, #tpu.memory_space<vmem>>
      %dma_start3A_61 = arith.constant 0 : i32
      %dma_start3A_62 = tpu.memref_slice %arg3[%add3A_57, %dma_start3A_61] : memref<2500x128xi32, #tpu.memory_space<hbm>> -> memref<1x128xi32, #tpu.memory_space<hbm>>
      %dma_start3A_63 = tpu.memref_squeeze %dma_start3A_62 : memref<1x128xi32, #tpu.memory_space<hbm>> -> memref<128xi32, #tpu.memory_space<hbm>>
      %dma_start3A_64 = arith.constant 0 : i32
      %dma_start3A_65 = tpu.memref_slice %arg8[%dma_start3A, %dma_start3A_64] : memref<2x128xi32, #tpu.memory_space<vmem>> -> memref<1x128xi32, #tpu.memory_space<vmem>>
      %dma_start3A_66 = tpu.memref_squeeze %dma_start3A_65 : memref<1x128xi32, #tpu.memory_space<vmem>> -> memref<128xi32, #tpu.memory_space<vmem>>
      %dma_start3A_67 = arith.constant 0 : i32
      %dma_start3A_68 = tpu.memref_slice %arg3[%add3A_57, %dma_start3A_67] : memref<2500x128xi32, #tpu.memory_space<hbm>> -> memref<1x128xi32, #tpu.memory_space<hbm>>
      %dma_start3A_69 = tpu.memref_squeeze %dma_start3A_68 : memref<1x128xi32, #tpu.memory_space<hbm>> -> memref<128xi32, #tpu.memory_space<hbm>>
      tpu.enqueue_dma source(%dma_start3A_69 : memref<128xi32, #tpu.memory_space<hbm>>) target(%dma_start3A_66 : memref<128xi32, #tpu.memory_space<vmem>>) target_semaphore(%arg11 : memref<!tpu.dma_semaphore, #tpu.memory_space<semaphore_mem>>)
      %add3A_70 = arith.constant 0 : i32
      %add3A_71 = arith.addi %select_n3A, %add3A_70 : i32
      %dma_start3A_72 = arith.constant 0 : i32
      %dma_start3A_73 = arith.constant 0 : i32
      %dma_start3A_74 = tpu.memref_slice %arg7[%dma_start3A_72, %dma_start3A_73] : memref<2x128xi32, #tpu.memory_space<vmem>> -> memref<1x128xi32, #tpu.memory_space<vmem>>
      %dma_start3A_75 = tpu.memref_squeeze %dma_start3A_74 : memref<1x128xi32, #tpu.memory_space<vmem>> -> memref<128xi32, #tpu.memory_space<vmem>>
      %dma_start3A_76 = arith.constant 0 : i32
      %dma_start3A_77 = tpu.memref_slice %arg4[%add3A_71, %dma_start3A_76] : memref<2500x128xi32, #tpu.memory_space<hbm>> -> memref<1x128xi32, #tpu.memory_space<hbm>>
      %dma_start3A_78 = tpu.memref_squeeze %dma_start3A_77 : memref<1x128xi32, #tpu.memory_space<hbm>> -> memref<128xi32, #tpu.memory_space<hbm>>
      %dma_start3A_79 = arith.constant 0 : i32
      %dma_start3A_80 = tpu.memref_slice %arg7[%dma_start3A_72, %dma_start3A_79] : memref<2x128xi32, #tpu.memory_space<vmem>> -> memref<1x128xi32, #tpu.memory_space<vmem>>
      %dma_start3A_81 = tpu.memref_squeeze %dma_start3A_80 : memref<1x128xi32, #tpu.memory_space<vmem>> -> memref<128xi32, #tpu.memory_space<vmem>>
      %dma_start3A_82 = arith.constant 0 : i32
      %dma_start3A_83 = tpu.memref_slice %arg4[%add3A_71, %dma_start3A_82] : memref<2500x128xi32, #tpu.memory_space<hbm>> -> memref<1x128xi32, #tpu.memory_space<hbm>>
      %dma_start3A_84 = tpu.memref_squeeze %dma_start3A_83 : memref<1x128xi32, #tpu.memory_space<hbm>> -> memref<128xi32, #tpu.memory_space<hbm>>
      tpu.enqueue_dma source(%dma_start3A_84 : memref<128xi32, #tpu.memory_space<hbm>>) target(%dma_start3A_81 : memref<128xi32, #tpu.memory_space<vmem>>) target_semaphore(%arg11 : memref<!tpu.dma_semaphore, #tpu.memory_space<semaphore_mem>>)
      %gt3A_85 = arith.constant 1 : i32
      %gt3A_86 = arith.cmpi sgt, %max3A_11, %gt3A_85 : i32
      %convert_element_type3A_87 = arith.extui %gt3A_86 : i1 to i32
      %cond3A_88 = arith.constant 0 : i32
      %cond3A_89 = arith.cmpi ne, %convert_element_type3A_87, %cond3A_88 : i32
      scf.if %cond3A_89 {
        %add3A_131 = arith.constant 1 : i32
        %add3A_132 = arith.addi %select_n3A, %add3A_131 : i32
        %dma_start3A_133 = arith.constant 1 : i32
        %dma_start3A_134 = arith.constant 0 : i32
        %dma_start3A_135 = tpu.memref_slice %arg8[%dma_start3A_133, %dma_start3A_134] : memref<2x128xi32, #tpu.memory_space<vmem>> -> memref<1x128xi32, #tpu.memory_space<vmem>>
        %dma_start3A_136 = tpu.memref_squeeze %dma_start3A_135 : memref<1x128xi32, #tpu.memory_space<vmem>> -> memref<128xi32, #tpu.memory_space<vmem>>
        %dma_start3A_137 = arith.constant 0 : i32
        %dma_start3A_138 = tpu.memref_slice %arg3[%add3A_132, %dma_start3A_137] : memref<2500x128xi32, #tpu.memory_space<hbm>> -> memref<1x128xi32, #tpu.memory_space<hbm>>
        %dma_start3A_139 = tpu.memref_squeeze %dma_start3A_138 : memref<1x128xi32, #tpu.memory_space<hbm>> -> memref<128xi32, #tpu.memory_space<hbm>>
        %dma_start3A_140 = arith.constant 0 : i32
        %dma_start3A_141 = tpu.memref_slice %arg8[%dma_start3A_133, %dma_start3A_140] : memref<2x128xi32, #tpu.memory_space<vmem>> -> memref<1x128xi32, #tpu.memory_space<vmem>>
        %dma_start3A_142 = tpu.memref_squeeze %dma_start3A_141 : memref<1x128xi32, #tpu.memory_space<vmem>> -> memref<128xi32, #tpu.memory_space<vmem>>
        %dma_start3A_143 = arith.constant 0 : i32
        %dma_start3A_144 = tpu.memref_slice %arg3[%add3A_132, %dma_start3A_143] : memref<2500x128xi32, #tpu.memory_space<hbm>> -> memref<1x128xi32, #tpu.memory_space<hbm>>
        %dma_start3A_145 = tpu.memref_squeeze %dma_start3A_144 : memref<1x128xi32, #tpu.memory_space<hbm>> -> memref<128xi32, #tpu.memory_space<hbm>>
        tpu.enqueue_dma source(%dma_start3A_145 : memref<128xi32, #tpu.memory_space<hbm>>) target(%dma_start3A_142 : memref<128xi32, #tpu.memory_space<vmem>>) target_semaphore(%arg12 : memref<!tpu.dma_semaphore, #tpu.memory_space<semaphore_mem>>)
        %add3A_146 = arith.constant 1 : i32
        %add3A_147 = arith.addi %select_n3A, %add3A_146 : i32
        %dma_start3A_148 = arith.constant 1 : i32
        %dma_start3A_149 = arith.constant 0 : i32
        %dma_start3A_150 = tpu.memref_slice %arg7[%dma_start3A_148, %dma_start3A_149] : memref<2x128xi32, #tpu.memory_space<vmem>> -> memref<1x128xi32, #tpu.memory_space<vmem>>
        %dma_start3A_151 = tpu.memref_squeeze %dma_start3A_150 : memref<1x128xi32, #tpu.memory_space<vmem>> -> memref<128xi32, #tpu.memory_space<vmem>>
        %dma_start3A_152 = arith.constant 0 : i32
        %dma_start3A_153 = tpu.memref_slice %arg4[%add3A_147, %dma_start3A_152] : memref<2500x128xi32, #tpu.memory_space<hbm>> -> memref<1x128xi32, #tpu.memory_space<hbm>>
        %dma_start3A_154 = tpu.memref_squeeze %dma_start3A_153 : memref<1x128xi32, #tpu.memory_space<hbm>> -> memref<128xi32, #tpu.memory_space<hbm>>
        %dma_start3A_155 = arith.constant 0 : i32
        %dma_start3A_156 = tpu.memref_slice %arg7[%dma_start3A_148, %dma_start3A_155] : memref<2x128xi32, #tpu.memory_space<vmem>> -> memref<1x128xi32, #tpu.memory_space<vmem>>
        %dma_start3A_157 = tpu.memref_squeeze %dma_start3A_156 : memref<1x128xi32, #tpu.memory_space<vmem>> -> memref<128xi32, #tpu.memory_space<vmem>>
        %dma_start3A_158 = arith.constant 0 : i32
        %dma_start3A_159 = tpu.memref_slice %arg4[%add3A_147, %dma_start3A_158] : memref<2500x128xi32, #tpu.memory_space<hbm>> -> memref<1x128xi32, #tpu.memory_space<hbm>>
        %dma_start3A_160 = tpu.memref_squeeze %dma_start3A_159 : memref<1x128xi32, #tpu.memory_space<hbm>> -> memref<128xi32, #tpu.memory_space<hbm>>
        tpu.enqueue_dma source(%dma_start3A_160 : memref<128xi32, #tpu.memory_space<hbm>>) target(%dma_start3A_157 : memref<128xi32, #tpu.memory_space<vmem>>) target_semaphore(%arg12 : memref<!tpu.dma_semaphore, #tpu.memory_space<semaphore_mem>>)
      } else {
      }
      %add3A_90 = arith.constant 0 : i32
      %add3A_91 = arith.addi %select_n3A, %add3A_90 : i32
      %dma_wait3A = arith.constant 0 : i32
      %dma_wait3A_92 = arith.constant 0 : i32
      %dma_wait3A_93 = tpu.memref_slice %arg8[%dma_wait3A, %dma_wait3A_92] : memref<2x128xi32, #tpu.memory_space<vmem>> -> memref<1x128xi32, #tpu.memory_space<vmem>>
      %dma_wait3A_94 = tpu.memref_squeeze %dma_wait3A_93 : memref<1x128xi32, #tpu.memory_space<vmem>> -> memref<128xi32, #tpu.memory_space<vmem>>
      %dma_wait3A_95 = arith.constant 0 : i32
      %dma_wait3A_96 = tpu.memref_slice %arg3[%add3A_91, %dma_wait3A_95] : memref<2500x128xi32, #tpu.memory_space<hbm>> -> memref<1x128xi32, #tpu.memory_space<hbm>>
      %dma_wait3A_97 = tpu.memref_squeeze %dma_wait3A_96 : memref<1x128xi32, #tpu.memory_space<hbm>> -> memref<128xi32, #tpu.memory_space<hbm>>
      %dma_wait3A_98 = arith.constant 0 : i32
      %dma_wait3A_99 = tpu.memref_slice %arg8[%dma_wait3A, %dma_wait3A_98] : memref<2x128xi32, #tpu.memory_space<vmem>> -> memref<1x128xi32, #tpu.memory_space<vmem>>
      %dma_wait3A_100 = tpu.memref_squeeze %dma_wait3A_99 : memref<1x128xi32, #tpu.memory_space<vmem>> -> memref<128xi32, #tpu.memory_space<vmem>>
      %dma_wait3A_101 = arith.constant 0 : i32
      %dma_wait3A_102 = tpu.memref_slice %arg3[%add3A_91, %dma_wait3A_101] : memref<2500x128xi32, #tpu.memory_space<hbm>> -> memref<1x128xi32, #tpu.memory_space<hbm>>
      %dma_wait3A_103 = tpu.memref_squeeze %dma_wait3A_102 : memref<1x128xi32, #tpu.memory_space<hbm>> -> memref<128xi32, #tpu.memory_space<hbm>>
      tpu.wait_dma2 semaphore(%arg11 : memref<!tpu.dma_semaphore, #tpu.memory_space<semaphore_mem>>) src(%dma_wait3A_103 : memref<128xi32, #tpu.memory_space<hbm>>) dst(%dma_wait3A_100 : memref<128xi32, #tpu.memory_space<vmem>>)
      %add3A_104 = arith.constant 0 : i32
      %add3A_105 = arith.addi %select_n3A, %add3A_104 : i32
      %dma_wait3A_106 = arith.constant 0 : i32
      %dma_wait3A_107 = arith.constant 0 : i32
      %dma_wait3A_108 = tpu.memref_slice %arg7[%dma_wait3A_106, %dma_wait3A_107] : memref<2x128xi32, #tpu.memory_space<vmem>> -> memref<1x128xi32, #tpu.memory_space<vmem>>
      %dma_wait3A_109 = tpu.memref_squeeze %dma_wait3A_108 : memref<1x128xi32, #tpu.memory_space<vmem>> -> memref<128xi32, #tpu.memory_space<vmem>>
      %dma_wait3A_110 = arith.constant 0 : i32
      %dma_wait3A_111 = tpu.memref_slice %arg4[%add3A_105, %dma_wait3A_110] : memref<2500x128xi32, #tpu.memory_space<hbm>> -> memref<1x128xi32, #tpu.memory_space<hbm>>
      %dma_wait3A_112 = tpu.memref_squeeze %dma_wait3A_111 : memref<1x128xi32, #tpu.memory_space<hbm>> -> memref<128xi32, #tpu.memory_space<hbm>>
      %dma_wait3A_113 = arith.constant 0 : i32
      %dma_wait3A_114 = tpu.memref_slice %arg7[%dma_wait3A_106, %dma_wait3A_113] : memref<2x128xi32, #tpu.memory_space<vmem>> -> memref<1x128xi32, #tpu.memory_space<vmem>>
      %dma_wait3A_115 = tpu.memref_squeeze %dma_wait3A_114 : memref<1x128xi32, #tpu.memory_space<vmem>> -> memref<128xi32, #tpu.memory_space<vmem>>
      %dma_wait3A_116 = arith.constant 0 : i32
      %dma_wait3A_117 = tpu.memref_slice %arg4[%add3A_105, %dma_wait3A_116] : memref<2500x128xi32, #tpu.memory_space<hbm>> -> memref<1x128xi32, #tpu.memory_space<hbm>>
      %dma_wait3A_118 = tpu.memref_squeeze %dma_wait3A_117 : memref<1x128xi32, #tpu.memory_space<hbm>> -> memref<128xi32, #tpu.memory_space<hbm>>
      tpu.wait_dma2 semaphore(%arg11 : memref<!tpu.dma_semaphore, #tpu.memory_space<semaphore_mem>>) src(%dma_wait3A_118 : memref<128xi32, #tpu.memory_space<hbm>>) dst(%dma_wait3A_115 : memref<128xi32, #tpu.memory_space<vmem>>)
      %dma_start3A_119 = arith.constant 0 : i32
      %dma_start3A_120 = arith.constant 0 : i32
      %dma_start3A_121 = arith.constant 0 : i32
      %dma_start3A_122 = arith.constant 0 : i32
      %dma_start3A_123 = tpu.memref_slice %arg9[%dma_start3A_120, %dma_start3A_121, %dma_start3A_122] : memref<2x128x128xf32, #tpu.memory_space<vmem>> -> memref<1x128x128xf32, #tpu.memory_space<vmem>>
      %dma_start3A_124 = tpu.memref_squeeze %dma_start3A_123 : memref<1x128x128xf32, #tpu.memory_space<vmem>> -> memref<128x128xf32, #tpu.memory_space<vmem>>
      %dma_start3A_125 = arith.constant 0 : i32
      %dma_start3A_126 = tpu.memref_slice %arg8[%dma_start3A_119, %dma_start3A_125] : memref<2x128xi32, #tpu.memory_space<vmem>> -> memref<1x128xi32, #tpu.memory_space<vmem>>
      %dma_start3A_127 = tpu.memref_squeeze %dma_start3A_126 : memref<1x128xi32, #tpu.memory_space<vmem>> -> memref<128xi32, #tpu.memory_space<vmem>>
      %dma_start3A_128 = arith.constant 0 : i32
      %dma_start3A_129 = arith.constant 0 : i32
      %dma_start3A_130 = tpu.memref_slice %arg2[%dma_start3A_128, %dma_start3A_129] : memref<40000x128xf32, #tpu.memory_space<hbm>> -> memref<40000x128xf32, #tpu.memory_space<hbm>>
      tpu.enqueue_indirect_dma source(%dma_start3A_130 : memref<40000x128xf32, #tpu.memory_space<hbm>>) target(%dma_start3A_124 : memref<128x128xf32, #tpu.memory_space<vmem>>) offsets(%dma_start3A_127 : memref<128xi32, #tpu.memory_space<vmem>>) semaphore(%arg13 : memref<!tpu.dma_semaphore, #tpu.memory_space<semaphore_mem>>)
    } else {
    }
    %and3A = arith.constant -2 : i32
    %and3A_16 = arith.andi %max3A_11, %and3A : i32
    %sub3A_17 = arith.constant 0 : i32
    %sub3A_18 = arith.subi %and3A_16, %sub3A_17 : i32
    %sub3A_19 = arith.constant 2 : i32
    %sub3A_20 = arith.constant 1 : i32
    %sub3A_21 = arith.subi %sub3A_19, %sub3A_20 : i32
    %add3A_22 = arith.addi %sub3A_18, %sub3A_21 : i32
    %div3A = arith.constant 2 : i32
    %div3A_23 = arith.divsi %add3A_22, %div3A : i32
    %while3A = arith.constant 2 : i32
    %while3A_24 = arith.constant 0 : i32
    %while3A_25 = arith.constant 0 : i32
    %while3A_26 = arith.subi %div3A_23, %while3A_25 : i32
    %while3A_27 = arith.addi %while3A_25, %while3A_26 : i32
    %while3A_28 = arith.constant 1 : i32
    %while3A_29 = arith.divsi %while3A_26, %while3A_28 : i32
    %while3A_30 = arith.muli %while3A_29, %while3A_28 : i32
    %while3A_31 = arith.addi %while3A_25, %while3A_30 : i32
    %while3A_32 = arith.constant 1 : i32
    scf.for %while3A_56 = %while3A_25 to %while3A_31 step %while3A_32  : i32 {
      %mul3A_57 = arith.muli %while3A_56, %while3A : i32
      %add3A_58 = arith.addi %while3A_24, %mul3A_57 : i32
      %add3A_59 = arith.constant 0 : i32
      %add3A_60 = arith.addi %add3A_58, %add3A_59 : i32
      %add3A_61 = arith.constant 1 : i32
      %add3A_62 = arith.addi %add3A_60, %add3A_61 : i32
      %lt3A_63 = arith.cmpi slt, %add3A_62, %max3A_11 : i32
      %convert_element_type3A_64 = arith.extui %lt3A_63 : i1 to i32
      %cond3A_65 = arith.constant 0 : i32
      %cond3A_66 = arith.cmpi ne, %convert_element_type3A_64, %cond3A_65 : i32
      scf.if %cond3A_66 {
        %add3A_113 = arith.constant 1 : i32
        %add3A_114 = arith.addi %add3A_60, %add3A_113 : i32
        %add3A_115 = arith.addi %select_n3A, %add3A_114 : i32
        %dma_wait3A_116 = arith.constant 1 : i32
        %dma_wait3A_117 = arith.constant 0 : i32
        %dma_wait3A_118 = tpu.memref_slice %arg8[%dma_wait3A_116, %dma_wait3A_117] : memref<2x128xi32, #tpu.memory_space<vmem>> -> memref<1x128xi32, #tpu.memory_space<vmem>>
        %dma_wait3A_119 = tpu.memref_squeeze %dma_wait3A_118 : memref<1x128xi32, #tpu.memory_space<vmem>> -> memref<128xi32, #tpu.memory_space<vmem>>
        %dma_wait3A_120 = arith.constant 0 : i32
        %dma_wait3A_121 = tpu.memref_slice %arg3[%add3A_115, %dma_wait3A_120] : memref<2500x128xi32, #tpu.memory_space<hbm>> -> memref<1x128xi32, #tpu.memory_space<hbm>>
        %dma_wait3A_122 = tpu.memref_squeeze %dma_wait3A_121 : memref<1x128xi32, #tpu.memory_space<hbm>> -> memref<128xi32, #tpu.memory_space<hbm>>
        %dma_wait3A_123 = arith.constant 0 : i32
        %dma_wait3A_124 = tpu.memref_slice %arg8[%dma_wait3A_116, %dma_wait3A_123] : memref<2x128xi32, #tpu.memory_space<vmem>> -> memref<1x128xi32, #tpu.memory_space<vmem>>
        %dma_wait3A_125 = tpu.memref_squeeze %dma_wait3A_124 : memref<1x128xi32, #tpu.memory_space<vmem>> -> memref<128xi32, #tpu.memory_space<vmem>>
        %dma_wait3A_126 = arith.constant 0 : i32
        %dma_wait3A_127 = tpu.memref_slice %arg3[%add3A_115, %dma_wait3A_126] : memref<2500x128xi32, #tpu.memory_space<hbm>> -> memref<1x128xi32, #tpu.memory_space<hbm>>
        %dma_wait3A_128 = tpu.memref_squeeze %dma_wait3A_127 : memref<1x128xi32, #tpu.memory_space<hbm>> -> memref<128xi32, #tpu.memory_space<hbm>>
        tpu.wait_dma2 semaphore(%arg12 : memref<!tpu.dma_semaphore, #tpu.memory_space<semaphore_mem>>) src(%dma_wait3A_128 : memref<128xi32, #tpu.memory_space<hbm>>) dst(%dma_wait3A_125 : memref<128xi32, #tpu.memory_space<vmem>>)
        %add3A_129 = arith.addi %select_n3A, %add3A_114 : i32
        %dma_wait3A_130 = arith.constant 1 : i32
        %dma_wait3A_131 = arith.constant 0 : i32
        %dma_wait3A_132 = tpu.memref_slice %arg7[%dma_wait3A_130, %dma_wait3A_131] : memref<2x128xi32, #tpu.memory_space<vmem>> -> memref<1x128xi32, #tpu.memory_space<vmem>>
        %dma_wait3A_133 = tpu.memref_squeeze %dma_wait3A_132 : memref<1x128xi32, #tpu.memory_space<vmem>> -> memref<128xi32, #tpu.memory_space<vmem>>
        %dma_wait3A_134 = arith.constant 0 : i32
        %dma_wait3A_135 = tpu.memref_slice %arg4[%add3A_129, %dma_wait3A_134] : memref<2500x128xi32, #tpu.memory_space<hbm>> -> memref<1x128xi32, #tpu.memory_space<hbm>>
        %dma_wait3A_136 = tpu.memref_squeeze %dma_wait3A_135 : memref<1x128xi32, #tpu.memory_space<hbm>> -> memref<128xi32, #tpu.memory_space<hbm>>
        %dma_wait3A_137 = arith.constant 0 : i32
        %dma_wait3A_138 = tpu.memref_slice %arg7[%dma_wait3A_130, %dma_wait3A_137] : memref<2x128xi32, #tpu.memory_space<vmem>> -> memref<1x128xi32, #tpu.memory_space<vmem>>
        %dma_wait3A_139 = tpu.memref_squeeze %dma_wait3A_138 : memref<1x128xi32, #tpu.memory_space<vmem>> -> memref<128xi32, #tpu.memory_space<vmem>>
        %dma_wait3A_140 = arith.constant 0 : i32
        %dma_wait3A_141 = tpu.memref_slice %arg4[%add3A_129, %dma_wait3A_140] : memref<2500x128xi32, #tpu.memory_space<hbm>> -> memref<1x128xi32, #tpu.memory_space<hbm>>
        %dma_wait3A_142 = tpu.memref_squeeze %dma_wait3A_141 : memref<1x128xi32, #tpu.memory_space<hbm>> -> memref<128xi32, #tpu.memory_space<hbm>>
        tpu.wait_dma2 semaphore(%arg12 : memref<!tpu.dma_semaphore, #tpu.memory_space<semaphore_mem>>) src(%dma_wait3A_142 : memref<128xi32, #tpu.memory_space<hbm>>) dst(%dma_wait3A_139 : memref<128xi32, #tpu.memory_space<vmem>>)
        %dma_start3A = arith.constant 1 : i32
        %dma_start3A_143 = arith.constant 1 : i32
        %dma_start3A_144 = arith.constant 0 : i32
        %dma_start3A_145 = arith.constant 0 : i32
        %dma_start3A_146 = tpu.memref_slice %arg9[%dma_start3A_143, %dma_start3A_144, %dma_start3A_145] : memref<2x128x128xf32, #tpu.memory_space<vmem>> -> memref<1x128x128xf32, #tpu.memory_space<vmem>>
        %dma_start3A_147 = tpu.memref_squeeze %dma_start3A_146 : memref<1x128x128xf32, #tpu.memory_space<vmem>> -> memref<128x128xf32, #tpu.memory_space<vmem>>
        %dma_start3A_148 = arith.constant 0 : i32
        %dma_start3A_149 = tpu.memref_slice %arg8[%dma_start3A, %dma_start3A_148] : memref<2x128xi32, #tpu.memory_space<vmem>> -> memref<1x128xi32, #tpu.memory_space<vmem>>
        %dma_start3A_150 = tpu.memref_squeeze %dma_start3A_149 : memref<1x128xi32, #tpu.memory_space<vmem>> -> memref<128xi32, #tpu.memory_space<vmem>>
        %dma_start3A_151 = arith.constant 0 : i32
        %dma_start3A_152 = arith.constant 0 : i32
        %dma_start3A_153 = tpu.memref_slice %arg2[%dma_start3A_151, %dma_start3A_152] : memref<40000x128xf32, #tpu.memory_space<hbm>> -> memref<40000x128xf32, #tpu.memory_space<hbm>>
        tpu.enqueue_indirect_dma source(%dma_start3A_153 : memref<40000x128xf32, #tpu.memory_space<hbm>>) target(%dma_start3A_147 : memref<128x128xf32, #tpu.memory_space<vmem>>) offsets(%dma_start3A_150 : memref<128xi32, #tpu.memory_space<vmem>>) semaphore(%arg14 : memref<!tpu.dma_semaphore, #tpu.memory_space<semaphore_mem>>)
      } else {
      }
      %dma_wait3A = arith.constant 0 : i32
      %dma_wait3A_67 = arith.constant 0 : i32
      %dma_wait3A_68 = arith.constant 0 : i32
      %dma_wait3A_69 = arith.constant 0 : i32
      %dma_wait3A_70 = tpu.memref_slice %arg9[%dma_wait3A_67, %dma_wait3A_68, %dma_wait3A_69] : memref<2x128x128xf32, #tpu.memory_space<vmem>> -> memref<1x128x128xf32, #tpu.memory_space<vmem>>
      %dma_wait3A_71 = tpu.memref_squeeze %dma_wait3A_70 : memref<1x128x128xf32, #tpu.memory_space<vmem>> -> memref<128x128xf32, #tpu.memory_space<vmem>>
      %dma_wait3A_72 = arith.constant 0 : i32
      %dma_wait3A_73 = tpu.memref_slice %arg8[%dma_wait3A, %dma_wait3A_72] : memref<2x128xi32, #tpu.memory_space<vmem>> -> memref<1x128xi32, #tpu.memory_space<vmem>>
      %dma_wait3A_74 = tpu.memref_squeeze %dma_wait3A_73 : memref<1x128xi32, #tpu.memory_space<vmem>> -> memref<128xi32, #tpu.memory_space<vmem>>
      %dma_wait3A_75 = arith.constant 0 : i32
      %dma_wait3A_76 = arith.constant 0 : i32
      %dma_wait3A_77 = tpu.memref_slice %arg2[%dma_wait3A_75, %dma_wait3A_76] : memref<40000x128xf32, #tpu.memory_space<hbm>> -> memref<40000x128xf32, #tpu.memory_space<hbm>>
      tpu.wait_indirect_dma semaphore(%arg13 : memref<!tpu.dma_semaphore, #tpu.memory_space<semaphore_mem>>) src(%dma_wait3A_77 : memref<40000x128xf32, #tpu.memory_space<hbm>>) dst(%dma_wait3A_71 : memref<128x128xf32, #tpu.memory_space<vmem>>)
      %run_scoped3A = arith.constant 0 : i32
      %run_scoped3A_78 = arith.constant 0 : i32
      "tpu.region"() ({
        %run_scoped3A_113 = tpu.sem_alloc : memref<!tpu.dma_semaphore, #tpu.memory_space<semaphore_mem>>
        %dma_start3A = arith.constant 0 : i32
        %dma_start3A_114 = arith.constant 0 : i32
        %dma_start3A_115 = tpu.memref_slice %arg9[%run_scoped3A, %dma_start3A, %dma_start3A_114] : memref<2x128x128xf32, #tpu.memory_space<vmem>> -> memref<1x128x128xf32, #tpu.memory_space<vmem>>
        %dma_start3A_116 = tpu.memref_squeeze %dma_start3A_115 : memref<1x128x128xf32, #tpu.memory_space<vmem>> -> memref<128x128xf32, #tpu.memory_space<vmem>>
        %dma_start3A_117 = arith.constant 0 : i32
        %dma_start3A_118 = tpu.memref_slice %arg7[%run_scoped3A_78, %dma_start3A_117] : memref<2x128xi32, #tpu.memory_space<vmem>> -> memref<1x128xi32, #tpu.memory_space<vmem>>
        %dma_start3A_119 = tpu.memref_squeeze %dma_start3A_118 : memref<1x128xi32, #tpu.memory_space<vmem>> -> memref<128xi32, #tpu.memory_space<vmem>>
        %dma_start3A_120 = arith.constant 0 : i32
        %dma_start3A_121 = arith.constant 0 : i32
        %dma_start3A_122 = tpu.memref_slice %arg10[%dma_start3A_120, %dma_start3A_121] : memref<10112x128xf32, #tpu.memory_space<vmem_shared>> -> memref<10112x128xf32, #tpu.memory_space<vmem_shared>>
        tpu.enqueue_indirect_dma source(%dma_start3A_116 : memref<128x128xf32, #tpu.memory_space<vmem>>) target(%dma_start3A_122 : memref<10112x128xf32, #tpu.memory_space<vmem_shared>>) offsets(%dma_start3A_119 : memref<128xi32, #tpu.memory_space<vmem>>) semaphore(%run_scoped3A_113 : memref<!tpu.dma_semaphore, #tpu.memory_space<semaphore_mem>>) {add = true}
        %dma_wait3A_123 = arith.constant 0 : i32
        %dma_wait3A_124 = arith.constant 0 : i32
        %dma_wait3A_125 = tpu.memref_slice %arg9[%run_scoped3A, %dma_wait3A_123, %dma_wait3A_124] : memref<2x128x128xf32, #tpu.memory_space<vmem>> -> memref<1x128x128xf32, #tpu.memory_space<vmem>>
        %dma_wait3A_126 = tpu.memref_squeeze %dma_wait3A_125 : memref<1x128x128xf32, #tpu.memory_space<vmem>> -> memref<128x128xf32, #tpu.memory_space<vmem>>
        %dma_wait3A_127 = arith.constant 0 : i32
        %dma_wait3A_128 = tpu.memref_slice %arg7[%run_scoped3A_78, %dma_wait3A_127] : memref<2x128xi32, #tpu.memory_space<vmem>> -> memref<1x128xi32, #tpu.memory_space<vmem>>
        %dma_wait3A_129 = tpu.memref_squeeze %dma_wait3A_128 : memref<1x128xi32, #tpu.memory_space<vmem>> -> memref<128xi32, #tpu.memory_space<vmem>>
        %dma_wait3A_130 = arith.constant 0 : i32
        %dma_wait3A_131 = arith.constant 0 : i32
        %dma_wait3A_132 = tpu.memref_slice %arg10[%dma_wait3A_130, %dma_wait3A_131] : memref<10112x128xf32, #tpu.memory_space<vmem_shared>> -> memref<10112x128xf32, #tpu.memory_space<vmem_shared>>
        tpu.wait_indirect_dma semaphore(%run_scoped3A_113 : memref<!tpu.dma_semaphore, #tpu.memory_space<semaphore_mem>>) src(%dma_wait3A_126 : memref<128x128xf32, #tpu.memory_space<vmem>>) dst(%dma_wait3A_132 : memref<10112x128xf32, #tpu.memory_space<vmem_shared>>)
        tpu.yield
      }) : () -> ()
      %add3A_79 = arith.constant 2 : i32
      %add3A_80 = arith.addi %add3A_60, %add3A_79 : i32
      %lt3A_81 = arith.cmpi slt, %add3A_80, %max3A_11 : i32
      %convert_element_type3A_82 = arith.extui %lt3A_81 : i1 to i32
      %cond3A_83 = arith.constant 0 : i32
      %cond3A_84 = arith.cmpi ne, %convert_element_type3A_82, %cond3A_83 : i32
      scf.if %cond3A_84 {
        %add3A_113 = arith.constant 2 : i32
        %add3A_114 = arith.addi %add3A_60, %add3A_113 : i32
        %add3A_115 = arith.addi %select_n3A, %add3A_114 : i32
        %dma_start3A = arith.constant 0 : i32
        %dma_start3A_116 = arith.constant 0 : i32
        %dma_start3A_117 = tpu.memref_slice %arg8[%dma_start3A, %dma_start3A_116] : memref<2x128xi32, #tpu.memory_space<vmem>> -> memref<1x128xi32, #tpu.memory_space<vmem>>
        %dma_start3A_118 = tpu.memref_squeeze %dma_start3A_117 : memref<1x128xi32, #tpu.memory_space<vmem>> -> memref<128xi32, #tpu.memory_space<vmem>>
        %dma_start3A_119 = arith.constant 0 : i32
        %dma_start3A_120 = tpu.memref_slice %arg3[%add3A_115, %dma_start3A_119] : memref<2500x128xi32, #tpu.memory_space<hbm>> -> memref<1x128xi32, #tpu.memory_space<hbm>>
        %dma_start3A_121 = tpu.memref_squeeze %dma_start3A_120 : memref<1x128xi32, #tpu.memory_space<hbm>> -> memref<128xi32, #tpu.memory_space<hbm>>
        %dma_start3A_122 = arith.constant 0 : i32
        %dma_start3A_123 = tpu.memref_slice %arg8[%dma_start3A, %dma_start3A_122] : memref<2x128xi32, #tpu.memory_space<vmem>> -> memref<1x128xi32, #tpu.memory_space<vmem>>
        %dma_start3A_124 = tpu.memref_squeeze %dma_start3A_123 : memref<1x128xi32, #tpu.memory_space<vmem>> -> memref<128xi32, #tpu.memory_space<vmem>>
        %dma_start3A_125 = arith.constant 0 : i32
        %dma_start3A_126 = tpu.memref_slice %arg3[%add3A_115, %dma_start3A_125] : memref<2500x128xi32, #tpu.memory_space<hbm>> -> memref<1x128xi32, #tpu.memory_space<hbm>>
        %dma_start3A_127 = tpu.memref_squeeze %dma_start3A_126 : memref<1x128xi32, #tpu.memory_space<hbm>> -> memref<128xi32, #tpu.memory_space<hbm>>
        tpu.enqueue_dma source(%dma_start3A_127 : memref<128xi32, #tpu.memory_space<hbm>>) target(%dma_start3A_124 : memref<128xi32, #tpu.memory_space<vmem>>) target_semaphore(%arg11 : memref<!tpu.dma_semaphore, #tpu.memory_space<semaphore_mem>>)
        %add3A_128 = arith.addi %select_n3A, %add3A_114 : i32
        %dma_start3A_129 = arith.constant 0 : i32
        %dma_start3A_130 = arith.constant 0 : i32
        %dma_start3A_131 = tpu.memref_slice %arg7[%dma_start3A_129, %dma_start3A_130] : memref<2x128xi32, #tpu.memory_space<vmem>> -> memref<1x128xi32, #tpu.memory_space<vmem>>
        %dma_start3A_132 = tpu.memref_squeeze %dma_start3A_131 : memref<1x128xi32, #tpu.memory_space<vmem>> -> memref<128xi32, #tpu.memory_space<vmem>>
        %dma_start3A_133 = arith.constant 0 : i32
        %dma_start3A_134 = tpu.memref_slice %arg4[%add3A_128, %dma_start3A_133] : memref<2500x128xi32, #tpu.memory_space<hbm>> -> memref<1x128xi32, #tpu.memory_space<hbm>>
        %dma_start3A_135 = tpu.memref_squeeze %dma_start3A_134 : memref<1x128xi32, #tpu.memory_space<hbm>> -> memref<128xi32, #tpu.memory_space<hbm>>
        %dma_start3A_136 = arith.constant 0 : i32
        %dma_start3A_137 = tpu.memref_slice %arg7[%dma_start3A_129, %dma_start3A_136] : memref<2x128xi32, #tpu.memory_space<vmem>> -> memref<1x128xi32, #tpu.memory_space<vmem>>
        %dma_start3A_138 = tpu.memref_squeeze %dma_start3A_137 : memref<1x128xi32, #tpu.memory_space<vmem>> -> memref<128xi32, #tpu.memory_space<vmem>>
        %dma_start3A_139 = arith.constant 0 : i32
        %dma_start3A_140 = tpu.memref_slice %arg4[%add3A_128, %dma_start3A_139] : memref<2500x128xi32, #tpu.memory_space<hbm>> -> memref<1x128xi32, #tpu.memory_space<hbm>>
        %dma_start3A_141 = tpu.memref_squeeze %dma_start3A_140 : memref<1x128xi32, #tpu.memory_space<hbm>> -> memref<128xi32, #tpu.memory_space<hbm>>
        tpu.enqueue_dma source(%dma_start3A_141 : memref<128xi32, #tpu.memory_space<hbm>>) target(%dma_start3A_138 : memref<128xi32, #tpu.memory_space<vmem>>) target_semaphore(%arg11 : memref<!tpu.dma_semaphore, #tpu.memory_space<semaphore_mem>>)
      } else {
      }
      %add3A_85 = arith.constant 1 : i32
      %add3A_86 = arith.addi %add3A_58, %add3A_85 : i32
      %add3A_87 = arith.constant 1 : i32
      %add3A_88 = arith.addi %add3A_86, %add3A_87 : i32
      %lt3A_89 = arith.cmpi slt, %add3A_88, %max3A_11 : i32
      %convert_element_type3A_90 = arith.extui %lt3A_89 : i1 to i32
      %cond3A_91 = arith.constant 0 : i32
      %cond3A_92 = arith.cmpi ne, %convert_element_type3A_90, %cond3A_91 : i32
      scf.if %cond3A_92 {
        %add3A_113 = arith.constant 1 : i32
        %add3A_114 = arith.addi %add3A_86, %add3A_113 : i32
        %add3A_115 = arith.addi %select_n3A, %add3A_114 : i32
        %dma_wait3A_116 = arith.constant 0 : i32
        %dma_wait3A_117 = arith.constant 0 : i32
        %dma_wait3A_118 = tpu.memref_slice %arg8[%dma_wait3A_116, %dma_wait3A_117] : memref<2x128xi32, #tpu.memory_space<vmem>> -> memref<1x128xi32, #tpu.memory_space<vmem>>
        %dma_wait3A_119 = tpu.memref_squeeze %dma_wait3A_118 : memref<1x128xi32, #tpu.memory_space<vmem>> -> memref<128xi32, #tpu.memory_space<vmem>>
        %dma_wait3A_120 = arith.constant 0 : i32
        %dma_wait3A_121 = tpu.memref_slice %arg3[%add3A_115, %dma_wait3A_120] : memref<2500x128xi32, #tpu.memory_space<hbm>> -> memref<1x128xi32, #tpu.memory_space<hbm>>
        %dma_wait3A_122 = tpu.memref_squeeze %dma_wait3A_121 : memref<1x128xi32, #tpu.memory_space<hbm>> -> memref<128xi32, #tpu.memory_space<hbm>>
        %dma_wait3A_123 = arith.constant 0 : i32
        %dma_wait3A_124 = tpu.memref_slice %arg8[%dma_wait3A_116, %dma_wait3A_123] : memref<2x128xi32, #tpu.memory_space<vmem>> -> memref<1x128xi32, #tpu.memory_space<vmem>>
        %dma_wait3A_125 = tpu.memref_squeeze %dma_wait3A_124 : memref<1x128xi32, #tpu.memory_space<vmem>> -> memref<128xi32, #tpu.memory_space<vmem>>
        %dma_wait3A_126 = arith.constant 0 : i32
        %dma_wait3A_127 = tpu.memref_slice %arg3[%add3A_115, %dma_wait3A_126] : memref<2500x128xi32, #tpu.memory_space<hbm>> -> memref<1x128xi32, #tpu.memory_space<hbm>>
        %dma_wait3A_128 = tpu.memref_squeeze %dma_wait3A_127 : memref<1x128xi32, #tpu.memory_space<hbm>> -> memref<128xi32, #tpu.memory_space<hbm>>
        tpu.wait_dma2 semaphore(%arg11 : memref<!tpu.dma_semaphore, #tpu.memory_space<semaphore_mem>>) src(%dma_wait3A_128 : memref<128xi32, #tpu.memory_space<hbm>>) dst(%dma_wait3A_125 : memref<128xi32, #tpu.memory_space<vmem>>)
        %add3A_129 = arith.addi %select_n3A, %add3A_114 : i32
        %dma_wait3A_130 = arith.constant 0 : i32
        %dma_wait3A_131 = arith.constant 0 : i32
        %dma_wait3A_132 = tpu.memref_slice %arg7[%dma_wait3A_130, %dma_wait3A_131] : memref<2x128xi32, #tpu.memory_space<vmem>> -> memref<1x128xi32, #tpu.memory_space<vmem>>
        %dma_wait3A_133 = tpu.memref_squeeze %dma_wait3A_132 : memref<1x128xi32, #tpu.memory_space<vmem>> -> memref<128xi32, #tpu.memory_space<vmem>>
        %dma_wait3A_134 = arith.constant 0 : i32
        %dma_wait3A_135 = tpu.memref_slice %arg4[%add3A_129, %dma_wait3A_134] : memref<2500x128xi32, #tpu.memory_space<hbm>> -> memref<1x128xi32, #tpu.memory_space<hbm>>
        %dma_wait3A_136 = tpu.memref_squeeze %dma_wait3A_135 : memref<1x128xi32, #tpu.memory_space<hbm>> -> memref<128xi32, #tpu.memory_space<hbm>>
        %dma_wait3A_137 = arith.constant 0 : i32
        %dma_wait3A_138 = tpu.memref_slice %arg7[%dma_wait3A_130, %dma_wait3A_137] : memref<2x128xi32, #tpu.memory_space<vmem>> -> memref<1x128xi32, #tpu.memory_space<vmem>>
        %dma_wait3A_139 = tpu.memref_squeeze %dma_wait3A_138 : memref<1x128xi32, #tpu.memory_space<vmem>> -> memref<128xi32, #tpu.memory_space<vmem>>
        %dma_wait3A_140 = arith.constant 0 : i32
        %dma_wait3A_141 = tpu.memref_slice %arg4[%add3A_129, %dma_wait3A_140] : memref<2500x128xi32, #tpu.memory_space<hbm>> -> memref<1x128xi32, #tpu.memory_space<hbm>>
        %dma_wait3A_142 = tpu.memref_squeeze %dma_wait3A_141 : memref<1x128xi32, #tpu.memory_space<hbm>> -> memref<128xi32, #tpu.memory_space<hbm>>
        tpu.wait_dma2 semaphore(%arg11 : memref<!tpu.dma_semaphore, #tpu.memory_space<semaphore_mem>>) src(%dma_wait3A_142 : memref<128xi32, #tpu.memory_space<hbm>>) dst(%dma_wait3A_139 : memref<128xi32, #tpu.memory_space<vmem>>)
        %dma_start3A = arith.constant 0 : i32
        %dma_start3A_143 = arith.constant 0 : i32
        %dma_start3A_144 = arith.constant 0 : i32
        %dma_start3A_145 = arith.constant 0 : i32
        %dma_start3A_146 = tpu.memref_slice %arg9[%dma_start3A_143, %dma_start3A_144, %dma_start3A_145] : memref<2x128x128xf32, #tpu.memory_space<vmem>> -> memref<1x128x128xf32, #tpu.memory_space<vmem>>
        %dma_start3A_147 = tpu.memref_squeeze %dma_start3A_146 : memref<1x128x128xf32, #tpu.memory_space<vmem>> -> memref<128x128xf32, #tpu.memory_space<vmem>>
        %dma_start3A_148 = arith.constant 0 : i32
        %dma_start3A_149 = tpu.memref_slice %arg8[%dma_start3A, %dma_start3A_148] : memref<2x128xi32, #tpu.memory_space<vmem>> -> memref<1x128xi32, #tpu.memory_space<vmem>>
        %dma_start3A_150 = tpu.memref_squeeze %dma_start3A_149 : memref<1x128xi32, #tpu.memory_space<vmem>> -> memref<128xi32, #tpu.memory_space<vmem>>
        %dma_start3A_151 = arith.constant 0 : i32
        %dma_start3A_152 = arith.constant 0 : i32
        %dma_start3A_153 = tpu.memref_slice %arg2[%dma_start3A_151, %dma_start3A_152] : memref<40000x128xf32, #tpu.memory_space<hbm>> -> memref<40000x128xf32, #tpu.memory_space<hbm>>
        tpu.enqueue_indirect_dma source(%dma_start3A_153 : memref<40000x128xf32, #tpu.memory_space<hbm>>) target(%dma_start3A_147 : memref<128x128xf32, #tpu.memory_space<vmem>>) offsets(%dma_start3A_150 : memref<128xi32, #tpu.memory_space<vmem>>) semaphore(%arg13 : memref<!tpu.dma_semaphore, #tpu.memory_space<semaphore_mem>>)
      } else {
      }
      %dma_wait3A_93 = arith.constant 1 : i32
      %dma_wait3A_94 = arith.constant 1 : i32
      %dma_wait3A_95 = arith.constant 0 : i32
      %dma_wait3A_96 = arith.constant 0 : i32
      %dma_wait3A_97 = tpu.memref_slice %arg9[%dma_wait3A_94, %dma_wait3A_95, %dma_wait3A_96] : memref<2x128x128xf32, #tpu.memory_space<vmem>> -> memref<1x128x128xf32, #tpu.memory_space<vmem>>
      %dma_wait3A_98 = tpu.memref_squeeze %dma_wait3A_97 : memref<1x128x128xf32, #tpu.memory_space<vmem>> -> memref<128x128xf32, #tpu.memory_space<vmem>>
      %dma_wait3A_99 = arith.constant 0 : i32
      %dma_wait3A_100 = tpu.memref_slice %arg8[%dma_wait3A_93, %dma_wait3A_99] : memref<2x128xi32, #tpu.memory_space<vmem>> -> memref<1x128xi32, #tpu.memory_space<vmem>>
      %dma_wait3A_101 = tpu.memref_squeeze %dma_wait3A_100 : memref<1x128xi32, #tpu.memory_space<vmem>> -> memref<128xi32, #tpu.memory_space<vmem>>
      %dma_wait3A_102 = arith.constant 0 : i32
      %dma_wait3A_103 = arith.constant 0 : i32
      %dma_wait3A_104 = tpu.memref_slice %arg2[%dma_wait3A_102, %dma_wait3A_103] : memref<40000x128xf32, #tpu.memory_space<hbm>> -> memref<40000x128xf32, #tpu.memory_space<hbm>>
      tpu.wait_indirect_dma semaphore(%arg14 : memref<!tpu.dma_semaphore, #tpu.memory_space<semaphore_mem>>) src(%dma_wait3A_104 : memref<40000x128xf32, #tpu.memory_space<hbm>>) dst(%dma_wait3A_98 : memref<128x128xf32, #tpu.memory_space<vmem>>)
      %run_scoped3A_105 = arith.constant 1 : i32
      %run_scoped3A_106 = arith.constant 1 : i32
      "tpu.region"() ({
        %run_scoped3A_113 = tpu.sem_alloc : memref<!tpu.dma_semaphore, #tpu.memory_space<semaphore_mem>>
        %dma_start3A = arith.constant 0 : i32
        %dma_start3A_114 = arith.constant 0 : i32
        %dma_start3A_115 = tpu.memref_slice %arg9[%run_scoped3A_105, %dma_start3A, %dma_start3A_114] : memref<2x128x128xf32, #tpu.memory_space<vmem>> -> memref<1x128x128xf32, #tpu.memory_space<vmem>>
        %dma_start3A_116 = tpu.memref_squeeze %dma_start3A_115 : memref<1x128x128xf32, #tpu.memory_space<vmem>> -> memref<128x128xf32, #tpu.memory_space<vmem>>
        %dma_start3A_117 = arith.constant 0 : i32
        %dma_start3A_118 = tpu.memref_slice %arg7[%run_scoped3A_106, %dma_start3A_117] : memref<2x128xi32, #tpu.memory_space<vmem>> -> memref<1x128xi32, #tpu.memory_space<vmem>>
        %dma_start3A_119 = tpu.memref_squeeze %dma_start3A_118 : memref<1x128xi32, #tpu.memory_space<vmem>> -> memref<128xi32, #tpu.memory_space<vmem>>
        %dma_start3A_120 = arith.constant 0 : i32
        %dma_start3A_121 = arith.constant 0 : i32
        %dma_start3A_122 = tpu.memref_slice %arg10[%dma_start3A_120, %dma_start3A_121] : memref<10112x128xf32, #tpu.memory_space<vmem_shared>> -> memref<10112x128xf32, #tpu.memory_space<vmem_shared>>
        tpu.enqueue_indirect_dma source(%dma_start3A_116 : memref<128x128xf32, #tpu.memory_space<vmem>>) target(%dma_start3A_122 : memref<10112x128xf32, #tpu.memory_space<vmem_shared>>) offsets(%dma_start3A_119 : memref<128xi32, #tpu.memory_space<vmem>>) semaphore(%run_scoped3A_113 : memref<!tpu.dma_semaphore, #tpu.memory_space<semaphore_mem>>) {add = true}
        %dma_wait3A_123 = arith.constant 0 : i32
        %dma_wait3A_124 = arith.constant 0 : i32
        %dma_wait3A_125 = tpu.memref_slice %arg9[%run_scoped3A_105, %dma_wait3A_123, %dma_wait3A_124] : memref<2x128x128xf32, #tpu.memory_space<vmem>> -> memref<1x128x128xf32, #tpu.memory_space<vmem>>
        %dma_wait3A_126 = tpu.memref_squeeze %dma_wait3A_125 : memref<1x128x128xf32, #tpu.memory_space<vmem>> -> memref<128x128xf32, #tpu.memory_space<vmem>>
        %dma_wait3A_127 = arith.constant 0 : i32
        %dma_wait3A_128 = tpu.memref_slice %arg7[%run_scoped3A_106, %dma_wait3A_127] : memref<2x128xi32, #tpu.memory_space<vmem>> -> memref<1x128xi32, #tpu.memory_space<vmem>>
        %dma_wait3A_129 = tpu.memref_squeeze %dma_wait3A_128 : memref<1x128xi32, #tpu.memory_space<vmem>> -> memref<128xi32, #tpu.memory_space<vmem>>
        %dma_wait3A_130 = arith.constant 0 : i32
        %dma_wait3A_131 = arith.constant 0 : i32
        %dma_wait3A_132 = tpu.memref_slice %arg10[%dma_wait3A_130, %dma_wait3A_131] : memref<10112x128xf32, #tpu.memory_space<vmem_shared>> -> memref<10112x128xf32, #tpu.memory_space<vmem_shared>>
        tpu.wait_indirect_dma semaphore(%run_scoped3A_113 : memref<!tpu.dma_semaphore, #tpu.memory_space<semaphore_mem>>) src(%dma_wait3A_126 : memref<128x128xf32, #tpu.memory_space<vmem>>) dst(%dma_wait3A_132 : memref<10112x128xf32, #tpu.memory_space<vmem_shared>>)
        tpu.yield
      }) : () -> ()
      %add3A_107 = arith.constant 2 : i32
      %add3A_108 = arith.addi %add3A_86, %add3A_107 : i32
      %lt3A_109 = arith.cmpi slt, %add3A_108, %max3A_11 : i32
      %convert_element_type3A_110 = arith.extui %lt3A_109 : i1 to i32
      %cond3A_111 = arith.constant 0 : i32
      %cond3A_112 = arith.cmpi ne, %convert_element_type3A_110, %cond3A_111 : i32
      scf.if %cond3A_112 {
        %add3A_113 = arith.constant 2 : i32
        %add3A_114 = arith.addi %add3A_86, %add3A_113 : i32
        %add3A_115 = arith.addi %select_n3A, %add3A_114 : i32
        %dma_start3A = arith.constant 1 : i32
        %dma_start3A_116 = arith.constant 0 : i32
        %dma_start3A_117 = tpu.memref_slice %arg8[%dma_start3A, %dma_start3A_116] : memref<2x128xi32, #tpu.memory_space<vmem>> -> memref<1x128xi32, #tpu.memory_space<vmem>>
        %dma_start3A_118 = tpu.memref_squeeze %dma_start3A_117 : memref<1x128xi32, #tpu.memory_space<vmem>> -> memref<128xi32, #tpu.memory_space<vmem>>
        %dma_start3A_119 = arith.constant 0 : i32
        %dma_start3A_120 = tpu.memref_slice %arg3[%add3A_115, %dma_start3A_119] : memref<2500x128xi32, #tpu.memory_space<hbm>> -> memref<1x128xi32, #tpu.memory_space<hbm>>
        %dma_start3A_121 = tpu.memref_squeeze %dma_start3A_120 : memref<1x128xi32, #tpu.memory_space<hbm>> -> memref<128xi32, #tpu.memory_space<hbm>>
        %dma_start3A_122 = arith.constant 0 : i32
        %dma_start3A_123 = tpu.memref_slice %arg8[%dma_start3A, %dma_start3A_122] : memref<2x128xi32, #tpu.memory_space<vmem>> -> memref<1x128xi32, #tpu.memory_space<vmem>>
        %dma_start3A_124 = tpu.memref_squeeze %dma_start3A_123 : memref<1x128xi32, #tpu.memory_space<vmem>> -> memref<128xi32, #tpu.memory_space<vmem>>
        %dma_start3A_125 = arith.constant 0 : i32
        %dma_start3A_126 = tpu.memref_slice %arg3[%add3A_115, %dma_start3A_125] : memref<2500x128xi32, #tpu.memory_space<hbm>> -> memref<1x128xi32, #tpu.memory_space<hbm>>
        %dma_start3A_127 = tpu.memref_squeeze %dma_start3A_126 : memref<1x128xi32, #tpu.memory_space<hbm>> -> memref<128xi32, #tpu.memory_space<hbm>>
        tpu.enqueue_dma source(%dma_start3A_127 : memref<128xi32, #tpu.memory_space<hbm>>) target(%dma_start3A_124 : memref<128xi32, #tpu.memory_space<vmem>>) target_semaphore(%arg12 : memref<!tpu.dma_semaphore, #tpu.memory_space<semaphore_mem>>)
        %add3A_128 = arith.addi %select_n3A, %add3A_114 : i32
        %dma_start3A_129 = arith.constant 1 : i32
        %dma_start3A_130 = arith.constant 0 : i32
        %dma_start3A_131 = tpu.memref_slice %arg7[%dma_start3A_129, %dma_start3A_130] : memref<2x128xi32, #tpu.memory_space<vmem>> -> memref<1x128xi32, #tpu.memory_space<vmem>>
        %dma_start3A_132 = tpu.memref_squeeze %dma_start3A_131 : memref<1x128xi32, #tpu.memory_space<vmem>> -> memref<128xi32, #tpu.memory_space<vmem>>
        %dma_start3A_133 = arith.constant 0 : i32
        %dma_start3A_134 = tpu.memref_slice %arg4[%add3A_128, %dma_start3A_133] : memref<2500x128xi32, #tpu.memory_space<hbm>> -> memref<1x128xi32, #tpu.memory_space<hbm>>
        %dma_start3A_135 = tpu.memref_squeeze %dma_start3A_134 : memref<1x128xi32, #tpu.memory_space<hbm>> -> memref<128xi32, #tpu.memory_space<hbm>>
        %dma_start3A_136 = arith.constant 0 : i32
        %dma_start3A_137 = tpu.memref_slice %arg7[%dma_start3A_129, %dma_start3A_136] : memref<2x128xi32, #tpu.memory_space<vmem>> -> memref<1x128xi32, #tpu.memory_space<vmem>>
        %dma_start3A_138 = tpu.memref_squeeze %dma_start3A_137 : memref<1x128xi32, #tpu.memory_space<vmem>> -> memref<128xi32, #tpu.memory_space<vmem>>
        %dma_start3A_139 = arith.constant 0 : i32
        %dma_start3A_140 = tpu.memref_slice %arg4[%add3A_128, %dma_start3A_139] : memref<2500x128xi32, #tpu.memory_space<hbm>> -> memref<1x128xi32, #tpu.memory_space<hbm>>
        %dma_start3A_141 = tpu.memref_squeeze %dma_start3A_140 : memref<1x128xi32, #tpu.memory_space<hbm>> -> memref<128xi32, #tpu.memory_space<hbm>>
        tpu.enqueue_dma source(%dma_start3A_141 : memref<128xi32, #tpu.memory_space<hbm>>) target(%dma_start3A_138 : memref<128xi32, #tpu.memory_space<vmem>>) target_semaphore(%arg12 : memref<!tpu.dma_semaphore, #tpu.memory_space<semaphore_mem>>)
      } else {
      }
    }
    %while3A_33 = arith.constant 1 : i32
    scf.for %while3A_56 = %while3A_31 to %while3A_27 step %while3A_33  : i32 {
      %mul3A_57 = arith.muli %while3A_56, %while3A : i32
      %add3A_58 = arith.addi %while3A_24, %mul3A_57 : i32
      %add3A_59 = arith.constant 0 : i32
      %add3A_60 = arith.addi %add3A_58, %add3A_59 : i32
      %add3A_61 = arith.constant 1 : i32
      %add3A_62 = arith.addi %add3A_60, %add3A_61 : i32
      %lt3A_63 = arith.cmpi slt, %add3A_62, %max3A_11 : i32
      %convert_element_type3A_64 = arith.extui %lt3A_63 : i1 to i32
      %cond3A_65 = arith.constant 0 : i32
      %cond3A_66 = arith.cmpi ne, %convert_element_type3A_64, %cond3A_65 : i32
      scf.if %cond3A_66 {
        %add3A_113 = arith.constant 1 : i32
        %add3A_114 = arith.addi %add3A_60, %add3A_113 : i32
        %add3A_115 = arith.addi %select_n3A, %add3A_114 : i32
        %dma_wait3A_116 = arith.constant 1 : i32
        %dma_wait3A_117 = arith.constant 0 : i32
        %dma_wait3A_118 = tpu.memref_slice %arg8[%dma_wait3A_116, %dma_wait3A_117] : memref<2x128xi32, #tpu.memory_space<vmem>> -> memref<1x128xi32, #tpu.memory_space<vmem>>
        %dma_wait3A_119 = tpu.memref_squeeze %dma_wait3A_118 : memref<1x128xi32, #tpu.memory_space<vmem>> -> memref<128xi32, #tpu.memory_space<vmem>>
        %dma_wait3A_120 = arith.constant 0 : i32
        %dma_wait3A_121 = tpu.memref_slice %arg3[%add3A_115, %dma_wait3A_120] : memref<2500x128xi32, #tpu.memory_space<hbm>> -> memref<1x128xi32, #tpu.memory_space<hbm>>
        %dma_wait3A_122 = tpu.memref_squeeze %dma_wait3A_121 : memref<1x128xi32, #tpu.memory_space<hbm>> -> memref<128xi32, #tpu.memory_space<hbm>>
        %dma_wait3A_123 = arith.constant 0 : i32
        %dma_wait3A_124 = tpu.memref_slice %arg8[%dma_wait3A_116, %dma_wait3A_123] : memref<2x128xi32, #tpu.memory_space<vmem>> -> memref<1x128xi32, #tpu.memory_space<vmem>>
        %dma_wait3A_125 = tpu.memref_squeeze %dma_wait3A_124 : memref<1x128xi32, #tpu.memory_space<vmem>> -> memref<128xi32, #tpu.memory_space<vmem>>
        %dma_wait3A_126 = arith.constant 0 : i32
        %dma_wait3A_127 = tpu.memref_slice %arg3[%add3A_115, %dma_wait3A_126] : memref<2500x128xi32, #tpu.memory_space<hbm>> -> memref<1x128xi32, #tpu.memory_space<hbm>>
        %dma_wait3A_128 = tpu.memref_squeeze %dma_wait3A_127 : memref<1x128xi32, #tpu.memory_space<hbm>> -> memref<128xi32, #tpu.memory_space<hbm>>
        tpu.wait_dma2 semaphore(%arg12 : memref<!tpu.dma_semaphore, #tpu.memory_space<semaphore_mem>>) src(%dma_wait3A_128 : memref<128xi32, #tpu.memory_space<hbm>>) dst(%dma_wait3A_125 : memref<128xi32, #tpu.memory_space<vmem>>)
        %add3A_129 = arith.addi %select_n3A, %add3A_114 : i32
        %dma_wait3A_130 = arith.constant 1 : i32
        %dma_wait3A_131 = arith.constant 0 : i32
        %dma_wait3A_132 = tpu.memref_slice %arg7[%dma_wait3A_130, %dma_wait3A_131] : memref<2x128xi32, #tpu.memory_space<vmem>> -> memref<1x128xi32, #tpu.memory_space<vmem>>
        %dma_wait3A_133 = tpu.memref_squeeze %dma_wait3A_132 : memref<1x128xi32, #tpu.memory_space<vmem>> -> memref<128xi32, #tpu.memory_space<vmem>>
        %dma_wait3A_134 = arith.constant 0 : i32
        %dma_wait3A_135 = tpu.memref_slice %arg4[%add3A_129, %dma_wait3A_134] : memref<2500x128xi32, #tpu.memory_space<hbm>> -> memref<1x128xi32, #tpu.memory_space<hbm>>
        %dma_wait3A_136 = tpu.memref_squeeze %dma_wait3A_135 : memref<1x128xi32, #tpu.memory_space<hbm>> -> memref<128xi32, #tpu.memory_space<hbm>>
        %dma_wait3A_137 = arith.constant 0 : i32
        %dma_wait3A_138 = tpu.memref_slice %arg7[%dma_wait3A_130, %dma_wait3A_137] : memref<2x128xi32, #tpu.memory_space<vmem>> -> memref<1x128xi32, #tpu.memory_space<vmem>>
        %dma_wait3A_139 = tpu.memref_squeeze %dma_wait3A_138 : memref<1x128xi32, #tpu.memory_space<vmem>> -> memref<128xi32, #tpu.memory_space<vmem>>
        %dma_wait3A_140 = arith.constant 0 : i32
        %dma_wait3A_141 = tpu.memref_slice %arg4[%add3A_129, %dma_wait3A_140] : memref<2500x128xi32, #tpu.memory_space<hbm>> -> memref<1x128xi32, #tpu.memory_space<hbm>>
        %dma_wait3A_142 = tpu.memref_squeeze %dma_wait3A_141 : memref<1x128xi32, #tpu.memory_space<hbm>> -> memref<128xi32, #tpu.memory_space<hbm>>
        tpu.wait_dma2 semaphore(%arg12 : memref<!tpu.dma_semaphore, #tpu.memory_space<semaphore_mem>>) src(%dma_wait3A_142 : memref<128xi32, #tpu.memory_space<hbm>>) dst(%dma_wait3A_139 : memref<128xi32, #tpu.memory_space<vmem>>)
        %dma_start3A = arith.constant 1 : i32
        %dma_start3A_143 = arith.constant 1 : i32
        %dma_start3A_144 = arith.constant 0 : i32
        %dma_start3A_145 = arith.constant 0 : i32
        %dma_start3A_146 = tpu.memref_slice %arg9[%dma_start3A_143, %dma_start3A_144, %dma_start3A_145] : memref<2x128x128xf32, #tpu.memory_space<vmem>> -> memref<1x128x128xf32, #tpu.memory_space<vmem>>
        %dma_start3A_147 = tpu.memref_squeeze %dma_start3A_146 : memref<1x128x128xf32, #tpu.memory_space<vmem>> -> memref<128x128xf32, #tpu.memory_space<vmem>>
        %dma_start3A_148 = arith.constant 0 : i32
        %dma_start3A_149 = tpu.memref_slice %arg8[%dma_start3A, %dma_start3A_148] : memref<2x128xi32, #tpu.memory_space<vmem>> -> memref<1x128xi32, #tpu.memory_space<vmem>>
        %dma_start3A_150 = tpu.memref_squeeze %dma_start3A_149 : memref<1x128xi32, #tpu.memory_space<vmem>> -> memref<128xi32, #tpu.memory_space<vmem>>
        %dma_start3A_151 = arith.constant 0 : i32
        %dma_start3A_152 = arith.constant 0 : i32
        %dma_start3A_153 = tpu.memref_slice %arg2[%dma_start3A_151, %dma_start3A_152] : memref<40000x128xf32, #tpu.memory_space<hbm>> -> memref<40000x128xf32, #tpu.memory_space<hbm>>
        tpu.enqueue_indirect_dma source(%dma_start3A_153 : memref<40000x128xf32, #tpu.memory_space<hbm>>) target(%dma_start3A_147 : memref<128x128xf32, #tpu.memory_space<vmem>>) offsets(%dma_start3A_150 : memref<128xi32, #tpu.memory_space<vmem>>) semaphore(%arg14 : memref<!tpu.dma_semaphore, #tpu.memory_space<semaphore_mem>>)
      } else {
      }
      %dma_wait3A = arith.constant 0 : i32
      %dma_wait3A_67 = arith.constant 0 : i32
      %dma_wait3A_68 = arith.constant 0 : i32
      %dma_wait3A_69 = arith.constant 0 : i32
      %dma_wait3A_70 = tpu.memref_slice %arg9[%dma_wait3A_67, %dma_wait3A_68, %dma_wait3A_69] : memref<2x128x128xf32, #tpu.memory_space<vmem>> -> memref<1x128x128xf32, #tpu.memory_space<vmem>>
      %dma_wait3A_71 = tpu.memref_squeeze %dma_wait3A_70 : memref<1x128x128xf32, #tpu.memory_space<vmem>> -> memref<128x128xf32, #tpu.memory_space<vmem>>
      %dma_wait3A_72 = arith.constant 0 : i32
      %dma_wait3A_73 = tpu.memref_slice %arg8[%dma_wait3A, %dma_wait3A_72] : memref<2x128xi32, #tpu.memory_space<vmem>> -> memref<1x128xi32, #tpu.memory_space<vmem>>
      %dma_wait3A_74 = tpu.memref_squeeze %dma_wait3A_73 : memref<1x128xi32, #tpu.memory_space<vmem>> -> memref<128xi32, #tpu.memory_space<vmem>>
      %dma_wait3A_75 = arith.constant 0 : i32
      %dma_wait3A_76 = arith.constant 0 : i32
      %dma_wait3A_77 = tpu.memref_slice %arg2[%dma_wait3A_75, %dma_wait3A_76] : memref<40000x128xf32, #tpu.memory_space<hbm>> -> memref<40000x128xf32, #tpu.memory_space<hbm>>
      tpu.wait_indirect_dma semaphore(%arg13 : memref<!tpu.dma_semaphore, #tpu.memory_space<semaphore_mem>>) src(%dma_wait3A_77 : memref<40000x128xf32, #tpu.memory_space<hbm>>) dst(%dma_wait3A_71 : memref<128x128xf32, #tpu.memory_space<vmem>>)
      %run_scoped3A = arith.constant 0 : i32
      %run_scoped3A_78 = arith.constant 0 : i32
      "tpu.region"() ({
        %run_scoped3A_113 = tpu.sem_alloc : memref<!tpu.dma_semaphore, #tpu.memory_space<semaphore_mem>>
        %dma_start3A = arith.constant 0 : i32
        %dma_start3A_114 = arith.constant 0 : i32
        %dma_start3A_115 = tpu.memref_slice %arg9[%run_scoped3A, %dma_start3A, %dma_start3A_114] : memref<2x128x128xf32, #tpu.memory_space<vmem>> -> memref<1x128x128xf32, #tpu.memory_space<vmem>>
        %dma_start3A_116 = tpu.memref_squeeze %dma_start3A_115 : memref<1x128x128xf32, #tpu.memory_space<vmem>> -> memref<128x128xf32, #tpu.memory_space<vmem>>
        %dma_start3A_117 = arith.constant 0 : i32
        %dma_start3A_118 = tpu.memref_slice %arg7[%run_scoped3A_78, %dma_start3A_117] : memref<2x128xi32, #tpu.memory_space<vmem>> -> memref<1x128xi32, #tpu.memory_space<vmem>>
        %dma_start3A_119 = tpu.memref_squeeze %dma_start3A_118 : memref<1x128xi32, #tpu.memory_space<vmem>> -> memref<128xi32, #tpu.memory_space<vmem>>
        %dma_start3A_120 = arith.constant 0 : i32
        %dma_start3A_121 = arith.constant 0 : i32
        %dma_start3A_122 = tpu.memref_slice %arg10[%dma_start3A_120, %dma_start3A_121] : memref<10112x128xf32, #tpu.memory_space<vmem_shared>> -> memref<10112x128xf32, #tpu.memory_space<vmem_shared>>
        tpu.enqueue_indirect_dma source(%dma_start3A_116 : memref<128x128xf32, #tpu.memory_space<vmem>>) target(%dma_start3A_122 : memref<10112x128xf32, #tpu.memory_space<vmem_shared>>) offsets(%dma_start3A_119 : memref<128xi32, #tpu.memory_space<vmem>>) semaphore(%run_scoped3A_113 : memref<!tpu.dma_semaphore, #tpu.memory_space<semaphore_mem>>) {add = true}
        %dma_wait3A_123 = arith.constant 0 : i32
        %dma_wait3A_124 = arith.constant 0 : i32
        %dma_wait3A_125 = tpu.memref_slice %arg9[%run_scoped3A, %dma_wait3A_123, %dma_wait3A_124] : memref<2x128x128xf32, #tpu.memory_space<vmem>> -> memref<1x128x128xf32, #tpu.memory_space<vmem>>
        %dma_wait3A_126 = tpu.memref_squeeze %dma_wait3A_125 : memref<1x128x128xf32, #tpu.memory_space<vmem>> -> memref<128x128xf32, #tpu.memory_space<vmem>>
        %dma_wait3A_127 = arith.constant 0 : i32
        %dma_wait3A_128 = tpu.memref_slice %arg7[%run_scoped3A_78, %dma_wait3A_127] : memref<2x128xi32, #tpu.memory_space<vmem>> -> memref<1x128xi32, #tpu.memory_space<vmem>>
        %dma_wait3A_129 = tpu.memref_squeeze %dma_wait3A_128 : memref<1x128xi32, #tpu.memory_space<vmem>> -> memref<128xi32, #tpu.memory_space<vmem>>
        %dma_wait3A_130 = arith.constant 0 : i32
        %dma_wait3A_131 = arith.constant 0 : i32
        %dma_wait3A_132 = tpu.memref_slice %arg10[%dma_wait3A_130, %dma_wait3A_131] : memref<10112x128xf32, #tpu.memory_space<vmem_shared>> -> memref<10112x128xf32, #tpu.memory_space<vmem_shared>>
        tpu.wait_indirect_dma semaphore(%run_scoped3A_113 : memref<!tpu.dma_semaphore, #tpu.memory_space<semaphore_mem>>) src(%dma_wait3A_126 : memref<128x128xf32, #tpu.memory_space<vmem>>) dst(%dma_wait3A_132 : memref<10112x128xf32, #tpu.memory_space<vmem_shared>>)
        tpu.yield
      }) : () -> ()
      %add3A_79 = arith.constant 2 : i32
      %add3A_80 = arith.addi %add3A_60, %add3A_79 : i32
      %lt3A_81 = arith.cmpi slt, %add3A_80, %max3A_11 : i32
      %convert_element_type3A_82 = arith.extui %lt3A_81 : i1 to i32
      %cond3A_83 = arith.constant 0 : i32
      %cond3A_84 = arith.cmpi ne, %convert_element_type3A_82, %cond3A_83 : i32
      scf.if %cond3A_84 {
        %add3A_113 = arith.constant 2 : i32
        %add3A_114 = arith.addi %add3A_60, %add3A_113 : i32
        %add3A_115 = arith.addi %select_n3A, %add3A_114 : i32
        %dma_start3A = arith.constant 0 : i32
        %dma_start3A_116 = arith.constant 0 : i32
        %dma_start3A_117 = tpu.memref_slice %arg8[%dma_start3A, %dma_start3A_116] : memref<2x128xi32, #tpu.memory_space<vmem>> -> memref<1x128xi32, #tpu.memory_space<vmem>>
        %dma_start3A_118 = tpu.memref_squeeze %dma_start3A_117 : memref<1x128xi32, #tpu.memory_space<vmem>> -> memref<128xi32, #tpu.memory_space<vmem>>
        %dma_start3A_119 = arith.constant 0 : i32
        %dma_start3A_120 = tpu.memref_slice %arg3[%add3A_115, %dma_start3A_119] : memref<2500x128xi32, #tpu.memory_space<hbm>> -> memref<1x128xi32, #tpu.memory_space<hbm>>
        %dma_start3A_121 = tpu.memref_squeeze %dma_start3A_120 : memref<1x128xi32, #tpu.memory_space<hbm>> -> memref<128xi32, #tpu.memory_space<hbm>>
        %dma_start3A_122 = arith.constant 0 : i32
        %dma_start3A_123 = tpu.memref_slice %arg8[%dma_start3A, %dma_start3A_122] : memref<2x128xi32, #tpu.memory_space<vmem>> -> memref<1x128xi32, #tpu.memory_space<vmem>>
        %dma_start3A_124 = tpu.memref_squeeze %dma_start3A_123 : memref<1x128xi32, #tpu.memory_space<vmem>> -> memref<128xi32, #tpu.memory_space<vmem>>
        %dma_start3A_125 = arith.constant 0 : i32
        %dma_start3A_126 = tpu.memref_slice %arg3[%add3A_115, %dma_start3A_125] : memref<2500x128xi32, #tpu.memory_space<hbm>> -> memref<1x128xi32, #tpu.memory_space<hbm>>
        %dma_start3A_127 = tpu.memref_squeeze %dma_start3A_126 : memref<1x128xi32, #tpu.memory_space<hbm>> -> memref<128xi32, #tpu.memory_space<hbm>>
        tpu.enqueue_dma source(%dma_start3A_127 : memref<128xi32, #tpu.memory_space<hbm>>) target(%dma_start3A_124 : memref<128xi32, #tpu.memory_space<vmem>>) target_semaphore(%arg11 : memref<!tpu.dma_semaphore, #tpu.memory_space<semaphore_mem>>)
        %add3A_128 = arith.addi %select_n3A, %add3A_114 : i32
        %dma_start3A_129 = arith.constant 0 : i32
        %dma_start3A_130 = arith.constant 0 : i32
        %dma_start3A_131 = tpu.memref_slice %arg7[%dma_start3A_129, %dma_start3A_130] : memref<2x128xi32, #tpu.memory_space<vmem>> -> memref<1x128xi32, #tpu.memory_space<vmem>>
        %dma_start3A_132 = tpu.memref_squeeze %dma_start3A_131 : memref<1x128xi32, #tpu.memory_space<vmem>> -> memref<128xi32, #tpu.memory_space<vmem>>
        %dma_start3A_133 = arith.constant 0 : i32
        %dma_start3A_134 = tpu.memref_slice %arg4[%add3A_128, %dma_start3A_133] : memref<2500x128xi32, #tpu.memory_space<hbm>> -> memref<1x128xi32, #tpu.memory_space<hbm>>
        %dma_start3A_135 = tpu.memref_squeeze %dma_start3A_134 : memref<1x128xi32, #tpu.memory_space<hbm>> -> memref<128xi32, #tpu.memory_space<hbm>>
        %dma_start3A_136 = arith.constant 0 : i32
        %dma_start3A_137 = tpu.memref_slice %arg7[%dma_start3A_129, %dma_start3A_136] : memref<2x128xi32, #tpu.memory_space<vmem>> -> memref<1x128xi32, #tpu.memory_space<vmem>>
        %dma_start3A_138 = tpu.memref_squeeze %dma_start3A_137 : memref<1x128xi32, #tpu.memory_space<vmem>> -> memref<128xi32, #tpu.memory_space<vmem>>
        %dma_start3A_139 = arith.constant 0 : i32
        %dma_start3A_140 = tpu.memref_slice %arg4[%add3A_128, %dma_start3A_139] : memref<2500x128xi32, #tpu.memory_space<hbm>> -> memref<1x128xi32, #tpu.memory_space<hbm>>
        %dma_start3A_141 = tpu.memref_squeeze %dma_start3A_140 : memref<1x128xi32, #tpu.memory_space<hbm>> -> memref<128xi32, #tpu.memory_space<hbm>>
        tpu.enqueue_dma source(%dma_start3A_141 : memref<128xi32, #tpu.memory_space<hbm>>) target(%dma_start3A_138 : memref<128xi32, #tpu.memory_space<vmem>>) target_semaphore(%arg11 : memref<!tpu.dma_semaphore, #tpu.memory_space<semaphore_mem>>)
      } else {
      }
      %add3A_85 = arith.constant 1 : i32
      %add3A_86 = arith.addi %add3A_58, %add3A_85 : i32
      %add3A_87 = arith.constant 1 : i32
      %add3A_88 = arith.addi %add3A_86, %add3A_87 : i32
      %lt3A_89 = arith.cmpi slt, %add3A_88, %max3A_11 : i32
      %convert_element_type3A_90 = arith.extui %lt3A_89 : i1 to i32
      %cond3A_91 = arith.constant 0 : i32
      %cond3A_92 = arith.cmpi ne, %convert_element_type3A_90, %cond3A_91 : i32
      scf.if %cond3A_92 {
        %add3A_113 = arith.constant 1 : i32
        %add3A_114 = arith.addi %add3A_86, %add3A_113 : i32
        %add3A_115 = arith.addi %select_n3A, %add3A_114 : i32
        %dma_wait3A_116 = arith.constant 0 : i32
        %dma_wait3A_117 = arith.constant 0 : i32
        %dma_wait3A_118 = tpu.memref_slice %arg8[%dma_wait3A_116, %dma_wait3A_117] : memref<2x128xi32, #tpu.memory_space<vmem>> -> memref<1x128xi32, #tpu.memory_space<vmem>>
        %dma_wait3A_119 = tpu.memref_squeeze %dma_wait3A_118 : memref<1x128xi32, #tpu.memory_space<vmem>> -> memref<128xi32, #tpu.memory_space<vmem>>
        %dma_wait3A_120 = arith.constant 0 : i32
        %dma_wait3A_121 = tpu.memref_slice %arg3[%add3A_115, %dma_wait3A_120] : memref<2500x128xi32, #tpu.memory_space<hbm>> -> memref<1x128xi32, #tpu.memory_space<hbm>>
        %dma_wait3A_122 = tpu.memref_squeeze %dma_wait3A_121 : memref<1x128xi32, #tpu.memory_space<hbm>> -> memref<128xi32, #tpu.memory_space<hbm>>
        %dma_wait3A_123 = arith.constant 0 : i32
        %dma_wait3A_124 = tpu.memref_slice %arg8[%dma_wait3A_116, %dma_wait3A_123] : memref<2x128xi32, #tpu.memory_space<vmem>> -> memref<1x128xi32, #tpu.memory_space<vmem>>
        %dma_wait3A_125 = tpu.memref_squeeze %dma_wait3A_124 : memref<1x128xi32, #tpu.memory_space<vmem>> -> memref<128xi32, #tpu.memory_space<vmem>>
        %dma_wait3A_126 = arith.constant 0 : i32
        %dma_wait3A_127 = tpu.memref_slice %arg3[%add3A_115, %dma_wait3A_126] : memref<2500x128xi32, #tpu.memory_space<hbm>> -> memref<1x128xi32, #tpu.memory_space<hbm>>
        %dma_wait3A_128 = tpu.memref_squeeze %dma_wait3A_127 : memref<1x128xi32, #tpu.memory_space<hbm>> -> memref<128xi32, #tpu.memory_space<hbm>>
        tpu.wait_dma2 semaphore(%arg11 : memref<!tpu.dma_semaphore, #tpu.memory_space<semaphore_mem>>) src(%dma_wait3A_128 : memref<128xi32, #tpu.memory_space<hbm>>) dst(%dma_wait3A_125 : memref<128xi32, #tpu.memory_space<vmem>>)
        %add3A_129 = arith.addi %select_n3A, %add3A_114 : i32
        %dma_wait3A_130 = arith.constant 0 : i32
        %dma_wait3A_131 = arith.constant 0 : i32
        %dma_wait3A_132 = tpu.memref_slice %arg7[%dma_wait3A_130, %dma_wait3A_131] : memref<2x128xi32, #tpu.memory_space<vmem>> -> memref<1x128xi32, #tpu.memory_space<vmem>>
        %dma_wait3A_133 = tpu.memref_squeeze %dma_wait3A_132 : memref<1x128xi32, #tpu.memory_space<vmem>> -> memref<128xi32, #tpu.memory_space<vmem>>
        %dma_wait3A_134 = arith.constant 0 : i32
        %dma_wait3A_135 = tpu.memref_slice %arg4[%add3A_129, %dma_wait3A_134] : memref<2500x128xi32, #tpu.memory_space<hbm>> -> memref<1x128xi32, #tpu.memory_space<hbm>>
        %dma_wait3A_136 = tpu.memref_squeeze %dma_wait3A_135 : memref<1x128xi32, #tpu.memory_space<hbm>> -> memref<128xi32, #tpu.memory_space<hbm>>
        %dma_wait3A_137 = arith.constant 0 : i32
        %dma_wait3A_138 = tpu.memref_slice %arg7[%dma_wait3A_130, %dma_wait3A_137] : memref<2x128xi32, #tpu.memory_space<vmem>> -> memref<1x128xi32, #tpu.memory_space<vmem>>
        %dma_wait3A_139 = tpu.memref_squeeze %dma_wait3A_138 : memref<1x128xi32, #tpu.memory_space<vmem>> -> memref<128xi32, #tpu.memory_space<vmem>>
        %dma_wait3A_140 = arith.constant 0 : i32
        %dma_wait3A_141 = tpu.memref_slice %arg4[%add3A_129, %dma_wait3A_140] : memref<2500x128xi32, #tpu.memory_space<hbm>> -> memref<1x128xi32, #tpu.memory_space<hbm>>
        %dma_wait3A_142 = tpu.memref_squeeze %dma_wait3A_141 : memref<1x128xi32, #tpu.memory_space<hbm>> -> memref<128xi32, #tpu.memory_space<hbm>>
        tpu.wait_dma2 semaphore(%arg11 : memref<!tpu.dma_semaphore, #tpu.memory_space<semaphore_mem>>) src(%dma_wait3A_142 : memref<128xi32, #tpu.memory_space<hbm>>) dst(%dma_wait3A_139 : memref<128xi32, #tpu.memory_space<vmem>>)
        %dma_start3A = arith.constant 0 : i32
        %dma_start3A_143 = arith.constant 0 : i32
        %dma_start3A_144 = arith.constant 0 : i32
        %dma_start3A_145 = arith.constant 0 : i32
        %dma_start3A_146 = tpu.memref_slice %arg9[%dma_start3A_143, %dma_start3A_144, %dma_start3A_145] : memref<2x128x128xf32, #tpu.memory_space<vmem>> -> memref<1x128x128xf32, #tpu.memory_space<vmem>>
        %dma_start3A_147 = tpu.memref_squeeze %dma_start3A_146 : memref<1x128x128xf32, #tpu.memory_space<vmem>> -> memref<128x128xf32, #tpu.memory_space<vmem>>
        %dma_start3A_148 = arith.constant 0 : i32
        %dma_start3A_149 = tpu.memref_slice %arg8[%dma_start3A, %dma_start3A_148] : memref<2x128xi32, #tpu.memory_space<vmem>> -> memref<1x128xi32, #tpu.memory_space<vmem>>
        %dma_start3A_150 = tpu.memref_squeeze %dma_start3A_149 : memref<1x128xi32, #tpu.memory_space<vmem>> -> memref<128xi32, #tpu.memory_space<vmem>>
        %dma_start3A_151 = arith.constant 0 : i32
        %dma_start3A_152 = arith.constant 0 : i32
        %dma_start3A_153 = tpu.memref_slice %arg2[%dma_start3A_151, %dma_start3A_152] : memref<40000x128xf32, #tpu.memory_space<hbm>> -> memref<40000x128xf32, #tpu.memory_space<hbm>>
        tpu.enqueue_indirect_dma source(%dma_start3A_153 : memref<40000x128xf32, #tpu.memory_space<hbm>>) target(%dma_start3A_147 : memref<128x128xf32, #tpu.memory_space<vmem>>) offsets(%dma_start3A_150 : memref<128xi32, #tpu.memory_space<vmem>>) semaphore(%arg13 : memref<!tpu.dma_semaphore, #tpu.memory_space<semaphore_mem>>)
      } else {
      }
      %dma_wait3A_93 = arith.constant 1 : i32
      %dma_wait3A_94 = arith.constant 1 : i32
      %dma_wait3A_95 = arith.constant 0 : i32
      %dma_wait3A_96 = arith.constant 0 : i32
      %dma_wait3A_97 = tpu.memref_slice %arg9[%dma_wait3A_94, %dma_wait3A_95, %dma_wait3A_96] : memref<2x128x128xf32, #tpu.memory_space<vmem>> -> memref<1x128x128xf32, #tpu.memory_space<vmem>>
      %dma_wait3A_98 = tpu.memref_squeeze %dma_wait3A_97 : memref<1x128x128xf32, #tpu.memory_space<vmem>> -> memref<128x128xf32, #tpu.memory_space<vmem>>
      %dma_wait3A_99 = arith.constant 0 : i32
      %dma_wait3A_100 = tpu.memref_slice %arg8[%dma_wait3A_93, %dma_wait3A_99] : memref<2x128xi32, #tpu.memory_space<vmem>> -> memref<1x128xi32, #tpu.memory_space<vmem>>
      %dma_wait3A_101 = tpu.memref_squeeze %dma_wait3A_100 : memref<1x128xi32, #tpu.memory_space<vmem>> -> memref<128xi32, #tpu.memory_space<vmem>>
      %dma_wait3A_102 = arith.constant 0 : i32
      %dma_wait3A_103 = arith.constant 0 : i32
      %dma_wait3A_104 = tpu.memref_slice %arg2[%dma_wait3A_102, %dma_wait3A_103] : memref<40000x128xf32, #tpu.memory_space<hbm>> -> memref<40000x128xf32, #tpu.memory_space<hbm>>
      tpu.wait_indirect_dma semaphore(%arg14 : memref<!tpu.dma_semaphore, #tpu.memory_space<semaphore_mem>>) src(%dma_wait3A_104 : memref<40000x128xf32, #tpu.memory_space<hbm>>) dst(%dma_wait3A_98 : memref<128x128xf32, #tpu.memory_space<vmem>>)
      %run_scoped3A_105 = arith.constant 1 : i32
      %run_scoped3A_106 = arith.constant 1 : i32
      "tpu.region"() ({
        %run_scoped3A_113 = tpu.sem_alloc : memref<!tpu.dma_semaphore, #tpu.memory_space<semaphore_mem>>
        %dma_start3A = arith.constant 0 : i32
        %dma_start3A_114 = arith.constant 0 : i32
        %dma_start3A_115 = tpu.memref_slice %arg9[%run_scoped3A_105, %dma_start3A, %dma_start3A_114] : memref<2x128x128xf32, #tpu.memory_space<vmem>> -> memref<1x128x128xf32, #tpu.memory_space<vmem>>
        %dma_start3A_116 = tpu.memref_squeeze %dma_start3A_115 : memref<1x128x128xf32, #tpu.memory_space<vmem>> -> memref<128x128xf32, #tpu.memory_space<vmem>>
        %dma_start3A_117 = arith.constant 0 : i32
        %dma_start3A_118 = tpu.memref_slice %arg7[%run_scoped3A_106, %dma_start3A_117] : memref<2x128xi32, #tpu.memory_space<vmem>> -> memref<1x128xi32, #tpu.memory_space<vmem>>
        %dma_start3A_119 = tpu.memref_squeeze %dma_start3A_118 : memref<1x128xi32, #tpu.memory_space<vmem>> -> memref<128xi32, #tpu.memory_space<vmem>>
        %dma_start3A_120 = arith.constant 0 : i32
        %dma_start3A_121 = arith.constant 0 : i32
        %dma_start3A_122 = tpu.memref_slice %arg10[%dma_start3A_120, %dma_start3A_121] : memref<10112x128xf32, #tpu.memory_space<vmem_shared>> -> memref<10112x128xf32, #tpu.memory_space<vmem_shared>>
        tpu.enqueue_indirect_dma source(%dma_start3A_116 : memref<128x128xf32, #tpu.memory_space<vmem>>) target(%dma_start3A_122 : memref<10112x128xf32, #tpu.memory_space<vmem_shared>>) offsets(%dma_start3A_119 : memref<128xi32, #tpu.memory_space<vmem>>) semaphore(%run_scoped3A_113 : memref<!tpu.dma_semaphore, #tpu.memory_space<semaphore_mem>>) {add = true}
        %dma_wait3A_123 = arith.constant 0 : i32
        %dma_wait3A_124 = arith.constant 0 : i32
        %dma_wait3A_125 = tpu.memref_slice %arg9[%run_scoped3A_105, %dma_wait3A_123, %dma_wait3A_124] : memref<2x128x128xf32, #tpu.memory_space<vmem>> -> memref<1x128x128xf32, #tpu.memory_space<vmem>>
        %dma_wait3A_126 = tpu.memref_squeeze %dma_wait3A_125 : memref<1x128x128xf32, #tpu.memory_space<vmem>> -> memref<128x128xf32, #tpu.memory_space<vmem>>
        %dma_wait3A_127 = arith.constant 0 : i32
        %dma_wait3A_128 = tpu.memref_slice %arg7[%run_scoped3A_106, %dma_wait3A_127] : memref<2x128xi32, #tpu.memory_space<vmem>> -> memref<1x128xi32, #tpu.memory_space<vmem>>
        %dma_wait3A_129 = tpu.memref_squeeze %dma_wait3A_128 : memref<1x128xi32, #tpu.memory_space<vmem>> -> memref<128xi32, #tpu.memory_space<vmem>>
        %dma_wait3A_130 = arith.constant 0 : i32
        %dma_wait3A_131 = arith.constant 0 : i32
        %dma_wait3A_132 = tpu.memref_slice %arg10[%dma_wait3A_130, %dma_wait3A_131] : memref<10112x128xf32, #tpu.memory_space<vmem_shared>> -> memref<10112x128xf32, #tpu.memory_space<vmem_shared>>
        tpu.wait_indirect_dma semaphore(%run_scoped3A_113 : memref<!tpu.dma_semaphore, #tpu.memory_space<semaphore_mem>>) src(%dma_wait3A_126 : memref<128x128xf32, #tpu.memory_space<vmem>>) dst(%dma_wait3A_132 : memref<10112x128xf32, #tpu.memory_space<vmem_shared>>)
        tpu.yield
      }) : () -> ()
      %add3A_107 = arith.constant 2 : i32
      %add3A_108 = arith.addi %add3A_86, %add3A_107 : i32
      %lt3A_109 = arith.cmpi slt, %add3A_108, %max3A_11 : i32
      %convert_element_type3A_110 = arith.extui %lt3A_109 : i1 to i32
      %cond3A_111 = arith.constant 0 : i32
      %cond3A_112 = arith.cmpi ne, %convert_element_type3A_110, %cond3A_111 : i32
      scf.if %cond3A_112 {
        %add3A_113 = arith.constant 2 : i32
        %add3A_114 = arith.addi %add3A_86, %add3A_113 : i32
        %add3A_115 = arith.addi %select_n3A, %add3A_114 : i32
        %dma_start3A = arith.constant 1 : i32
        %dma_start3A_116 = arith.constant 0 : i32
        %dma_start3A_117 = tpu.memref_slice %arg8[%dma_start3A, %dma_start3A_116] : memref<2x128xi32, #tpu.memory_space<vmem>> -> memref<1x128xi32, #tpu.memory_space<vmem>>
        %dma_start3A_118 = tpu.memref_squeeze %dma_start3A_117 : memref<1x128xi32, #tpu.memory_space<vmem>> -> memref<128xi32, #tpu.memory_space<vmem>>
        %dma_start3A_119 = arith.constant 0 : i32
        %dma_start3A_120 = tpu.memref_slice %arg3[%add3A_115, %dma_start3A_119] : memref<2500x128xi32, #tpu.memory_space<hbm>> -> memref<1x128xi32, #tpu.memory_space<hbm>>
        %dma_start3A_121 = tpu.memref_squeeze %dma_start3A_120 : memref<1x128xi32, #tpu.memory_space<hbm>> -> memref<128xi32, #tpu.memory_space<hbm>>
        %dma_start3A_122 = arith.constant 0 : i32
        %dma_start3A_123 = tpu.memref_slice %arg8[%dma_start3A, %dma_start3A_122] : memref<2x128xi32, #tpu.memory_space<vmem>> -> memref<1x128xi32, #tpu.memory_space<vmem>>
        %dma_start3A_124 = tpu.memref_squeeze %dma_start3A_123 : memref<1x128xi32, #tpu.memory_space<vmem>> -> memref<128xi32, #tpu.memory_space<vmem>>
        %dma_start3A_125 = arith.constant 0 : i32
        %dma_start3A_126 = tpu.memref_slice %arg3[%add3A_115, %dma_start3A_125] : memref<2500x128xi32, #tpu.memory_space<hbm>> -> memref<1x128xi32, #tpu.memory_space<hbm>>
        %dma_start3A_127 = tpu.memref_squeeze %dma_start3A_126 : memref<1x128xi32, #tpu.memory_space<hbm>> -> memref<128xi32, #tpu.memory_space<hbm>>
        tpu.enqueue_dma source(%dma_start3A_127 : memref<128xi32, #tpu.memory_space<hbm>>) target(%dma_start3A_124 : memref<128xi32, #tpu.memory_space<vmem>>) target_semaphore(%arg12 : memref<!tpu.dma_semaphore, #tpu.memory_space<semaphore_mem>>)
        %add3A_128 = arith.addi %select_n3A, %add3A_114 : i32
        %dma_start3A_129 = arith.constant 1 : i32
        %dma_start3A_130 = arith.constant 0 : i32
        %dma_start3A_131 = tpu.memref_slice %arg7[%dma_start3A_129, %dma_start3A_130] : memref<2x128xi32, #tpu.memory_space<vmem>> -> memref<1x128xi32, #tpu.memory_space<vmem>>
        %dma_start3A_132 = tpu.memref_squeeze %dma_start3A_131 : memref<1x128xi32, #tpu.memory_space<vmem>> -> memref<128xi32, #tpu.memory_space<vmem>>
        %dma_start3A_133 = arith.constant 0 : i32
        %dma_start3A_134 = tpu.memref_slice %arg4[%add3A_128, %dma_start3A_133] : memref<2500x128xi32, #tpu.memory_space<hbm>> -> memref<1x128xi32, #tpu.memory_space<hbm>>
        %dma_start3A_135 = tpu.memref_squeeze %dma_start3A_134 : memref<1x128xi32, #tpu.memory_space<hbm>> -> memref<128xi32, #tpu.memory_space<hbm>>
        %dma_start3A_136 = arith.constant 0 : i32
        %dma_start3A_137 = tpu.memref_slice %arg7[%dma_start3A_129, %dma_start3A_136] : memref<2x128xi32, #tpu.memory_space<vmem>> -> memref<1x128xi32, #tpu.memory_space<vmem>>
        %dma_start3A_138 = tpu.memref_squeeze %dma_start3A_137 : memref<1x128xi32, #tpu.memory_space<vmem>> -> memref<128xi32, #tpu.memory_space<vmem>>
        %dma_start3A_139 = arith.constant 0 : i32
        %dma_start3A_140 = tpu.memref_slice %arg4[%add3A_128, %dma_start3A_139] : memref<2500x128xi32, #tpu.memory_space<hbm>> -> memref<1x128xi32, #tpu.memory_space<hbm>>
        %dma_start3A_141 = tpu.memref_squeeze %dma_start3A_140 : memref<1x128xi32, #tpu.memory_space<hbm>> -> memref<128xi32, #tpu.memory_space<hbm>>
        tpu.enqueue_dma source(%dma_start3A_141 : memref<128xi32, #tpu.memory_space<hbm>>) target(%dma_start3A_138 : memref<128xi32, #tpu.memory_space<vmem>>) target_semaphore(%arg12 : memref<!tpu.dma_semaphore, #tpu.memory_space<semaphore_mem>>)
      } else {
      }
    }
    %jit3A = arith.constant 2 : i32
    %eq3A_34 = arith.constant 0 : i32
    %eq3A_35 = arith.cmpi eq, %jit3A, %eq3A_34 : i32
    %jit3A_36 = arith.constant 1 : i32
    %select_n3A_37 = arith.select %eq3A_35, %jit3A_36, %jit3A : i32
    %rem3A = arith.remsi %max3A_11, %select_n3A_37 : i32
    %ne3A = arith.constant 0 : i32
    %ne3A_38 = arith.cmpi ne, %rem3A, %ne3A : i32
    %lt3A = arith.constant 0 : i32
    %lt3A_39 = arith.cmpi slt, %rem3A, %lt3A : i32
    %lt3A_40 = arith.constant 0 : i32
    %lt3A_41 = arith.cmpi slt, %select_n3A_37, %lt3A_40 : i32
    %ne3A_42 = arith.xori %lt3A_39, %lt3A_41 : i1
    %and3A_43 = arith.andi %ne3A_42, %ne3A_38 : i1
    %add3A_44 = arith.addi %rem3A, %select_n3A_37 : i32
    %select_n3A_45 = arith.select %and3A_43, %add3A_44, %rem3A : i32
    %eq3A_46 = arith.constant 1 : i32
    %eq3A_47 = arith.cmpi eq, %select_n3A_45, %eq3A_46 : i32
    %convert_element_type3A_48 = arith.extui %eq3A_47 : i1 to i32
    %cond3A_49 = arith.constant 0 : i32
    %cond3A_50 = arith.cmpi ne, %convert_element_type3A_48, %cond3A_49 : i32
    scf.if %cond3A_50 {
      %dma_wait3A = arith.constant 0 : i32
      %dma_wait3A_56 = arith.constant 0 : i32
      %dma_wait3A_57 = arith.constant 0 : i32
      %dma_wait3A_58 = arith.constant 0 : i32
      %dma_wait3A_59 = tpu.memref_slice %arg9[%dma_wait3A_56, %dma_wait3A_57, %dma_wait3A_58] : memref<2x128x128xf32, #tpu.memory_space<vmem>> -> memref<1x128x128xf32, #tpu.memory_space<vmem>>
      %dma_wait3A_60 = tpu.memref_squeeze %dma_wait3A_59 : memref<1x128x128xf32, #tpu.memory_space<vmem>> -> memref<128x128xf32, #tpu.memory_space<vmem>>
      %dma_wait3A_61 = arith.constant 0 : i32
      %dma_wait3A_62 = tpu.memref_slice %arg8[%dma_wait3A, %dma_wait3A_61] : memref<2x128xi32, #tpu.memory_space<vmem>> -> memref<1x128xi32, #tpu.memory_space<vmem>>
      %dma_wait3A_63 = tpu.memref_squeeze %dma_wait3A_62 : memref<1x128xi32, #tpu.memory_space<vmem>> -> memref<128xi32, #tpu.memory_space<vmem>>
      %dma_wait3A_64 = arith.constant 0 : i32
      %dma_wait3A_65 = arith.constant 0 : i32
      %dma_wait3A_66 = tpu.memref_slice %arg2[%dma_wait3A_64, %dma_wait3A_65] : memref<40000x128xf32, #tpu.memory_space<hbm>> -> memref<40000x128xf32, #tpu.memory_space<hbm>>
      tpu.wait_indirect_dma semaphore(%arg13 : memref<!tpu.dma_semaphore, #tpu.memory_space<semaphore_mem>>) src(%dma_wait3A_66 : memref<40000x128xf32, #tpu.memory_space<hbm>>) dst(%dma_wait3A_60 : memref<128x128xf32, #tpu.memory_space<vmem>>)
      %run_scoped3A = arith.constant 0 : i32
      %run_scoped3A_67 = arith.constant 0 : i32
      "tpu.region"() ({
        %run_scoped3A_68 = tpu.sem_alloc : memref<!tpu.dma_semaphore, #tpu.memory_space<semaphore_mem>>
        %dma_start3A = arith.constant 0 : i32
        %dma_start3A_69 = arith.constant 0 : i32
        %dma_start3A_70 = tpu.memref_slice %arg9[%run_scoped3A, %dma_start3A, %dma_start3A_69] : memref<2x128x128xf32, #tpu.memory_space<vmem>> -> memref<1x128x128xf32, #tpu.memory_space<vmem>>
        %dma_start3A_71 = tpu.memref_squeeze %dma_start3A_70 : memref<1x128x128xf32, #tpu.memory_space<vmem>> -> memref<128x128xf32, #tpu.memory_space<vmem>>
        %dma_start3A_72 = arith.constant 0 : i32
        %dma_start3A_73 = tpu.memref_slice %arg7[%run_scoped3A_67, %dma_start3A_72] : memref<2x128xi32, #tpu.memory_space<vmem>> -> memref<1x128xi32, #tpu.memory_space<vmem>>
        %dma_start3A_74 = tpu.memref_squeeze %dma_start3A_73 : memref<1x128xi32, #tpu.memory_space<vmem>> -> memref<128xi32, #tpu.memory_space<vmem>>
        %dma_start3A_75 = arith.constant 0 : i32
        %dma_start3A_76 = arith.constant 0 : i32
        %dma_start3A_77 = tpu.memref_slice %arg10[%dma_start3A_75, %dma_start3A_76] : memref<10112x128xf32, #tpu.memory_space<vmem_shared>> -> memref<10112x128xf32, #tpu.memory_space<vmem_shared>>
        tpu.enqueue_indirect_dma source(%dma_start3A_71 : memref<128x128xf32, #tpu.memory_space<vmem>>) target(%dma_start3A_77 : memref<10112x128xf32, #tpu.memory_space<vmem_shared>>) offsets(%dma_start3A_74 : memref<128xi32, #tpu.memory_space<vmem>>) semaphore(%run_scoped3A_68 : memref<!tpu.dma_semaphore, #tpu.memory_space<semaphore_mem>>) {add = true}
        %dma_wait3A_78 = arith.constant 0 : i32
        %dma_wait3A_79 = arith.constant 0 : i32
        %dma_wait3A_80 = tpu.memref_slice %arg9[%run_scoped3A, %dma_wait3A_78, %dma_wait3A_79] : memref<2x128x128xf32, #tpu.memory_space<vmem>> -> memref<1x128x128xf32, #tpu.memory_space<vmem>>
        %dma_wait3A_81 = tpu.memref_squeeze %dma_wait3A_80 : memref<1x128x128xf32, #tpu.memory_space<vmem>> -> memref<128x128xf32, #tpu.memory_space<vmem>>
        %dma_wait3A_82 = arith.constant 0 : i32
        %dma_wait3A_83 = tpu.memref_slice %arg7[%run_scoped3A_67, %dma_wait3A_82] : memref<2x128xi32, #tpu.memory_space<vmem>> -> memref<1x128xi32, #tpu.memory_space<vmem>>
        %dma_wait3A_84 = tpu.memref_squeeze %dma_wait3A_83 : memref<1x128xi32, #tpu.memory_space<vmem>> -> memref<128xi32, #tpu.memory_space<vmem>>
        %dma_wait3A_85 = arith.constant 0 : i32
        %dma_wait3A_86 = arith.constant 0 : i32
        %dma_wait3A_87 = tpu.memref_slice %arg10[%dma_wait3A_85, %dma_wait3A_86] : memref<10112x128xf32, #tpu.memory_space<vmem_shared>> -> memref<10112x128xf32, #tpu.memory_space<vmem_shared>>
        tpu.wait_indirect_dma semaphore(%run_scoped3A_68 : memref<!tpu.dma_semaphore, #tpu.memory_space<semaphore_mem>>) src(%dma_wait3A_81 : memref<128x128xf32, #tpu.memory_space<vmem>>) dst(%dma_wait3A_87 : memref<10112x128xf32, #tpu.memory_space<vmem_shared>>)
        tpu.yield
      }) : () -> ()
    } else {
    }
    %barrier3A_51 = arith.constant 0 : index
    tpu.barrier barrier_id(%barrier3A_51)
    %mul3A_52 = arith.constant 632 : i32
    %mul3A_53 = arith.muli %arg1, %mul3A_52 : i32
    %mul3A_54 = arith.constant 632 : i32
    %mul3A_55 = arith.muli %arg1, %mul3A_54 : i32
    "tpu.region"() ({
      %run_scoped3A = tpu.sem_alloc : memref<!tpu.dma_semaphore, #tpu.memory_space<semaphore_mem>>
      %dma_start3A = arith.constant 0 : i32
      %dma_start3A_56 = tpu.memref_slice %arg6[%arg0, %mul3A_55, %dma_start3A] : memref<2x10112x128xf32, #tpu.memory_space<hbm>> -> memref<1x632x128xf32, #tpu.memory_space<hbm>>
      %dma_start3A_57 = tpu.memref_squeeze %dma_start3A_56 : memref<1x632x128xf32, #tpu.memory_space<hbm>> -> memref<632x128xf32, #tpu.memory_space<hbm>>
      %dma_start3A_58 = arith.constant 0 : i32
      %dma_start3A_59 = tpu.memref_slice %arg10[%mul3A_53, %dma_start3A_58] : memref<10112x128xf32, #tpu.memory_space<vmem_shared>> -> memref<632x128xf32, #tpu.memory_space<vmem_shared>>
      tpu.enqueue_dma source(%dma_start3A_59 : memref<632x128xf32, #tpu.memory_space<vmem_shared>>) target(%dma_start3A_57 : memref<632x128xf32, #tpu.memory_space<hbm>>) target_semaphore(%run_scoped3A : memref<!tpu.dma_semaphore, #tpu.memory_space<semaphore_mem>>)
      %dma_wait3A = arith.constant 0 : i32
      %dma_wait3A_60 = tpu.memref_slice %arg6[%arg0, %mul3A_55, %dma_wait3A] : memref<2x10112x128xf32, #tpu.memory_space<hbm>> -> memref<1x632x128xf32, #tpu.memory_space<hbm>>
      %dma_wait3A_61 = tpu.memref_squeeze %dma_wait3A_60 : memref<1x632x128xf32, #tpu.memory_space<hbm>> -> memref<632x128xf32, #tpu.memory_space<hbm>>
      %dma_wait3A_62 = arith.constant 0 : i32
      %dma_wait3A_63 = tpu.memref_slice %arg10[%mul3A_53, %dma_wait3A_62] : memref<10112x128xf32, #tpu.memory_space<vmem_shared>> -> memref<632x128xf32, #tpu.memory_space<vmem_shared>>
      tpu.wait_dma2 semaphore(%run_scoped3A : memref<!tpu.dma_semaphore, #tpu.memory_space<semaphore_mem>>) src(%dma_wait3A_63 : memref<632x128xf32, #tpu.memory_space<vmem_shared>>) dst(%dma_wait3A_61 : memref<632x128xf32, #tpu.memory_space<hbm>>)
      tpu.yield
    }) : () -> ()
    return
  }
}

module attributes {stable_mosaic.version = 14 : i64} {
  func.func @_stage_a_body(%arg0: i32, %arg1: memref<2000x128xf32, #tpu.memory_space<vmem>>, %arg2: memref<2000x1xi32, #tpu.memory_space<vmem>>, %arg3: memref<3x128xf32, #tpu.memory_space<vmem>>, %arg4: memref<3x128xf32, #tpu.memory_space<vmem>>, %arg5: memref<128x512xf32, #tpu.memory_space<vmem>>, %arg6: memref<4x2000x128xf32, #tpu.memory_space<vmem>>) attributes {dimension_semantics = [#tpu.dimension_semantics<arbitrary>], iteration_bounds = array<i64: 5>, scalar_prefetch = 0 : i64, scratch_operands = 0 : i64, tpu.core_type = #tpu.core_type<tc>, window_params = [{transform_indices = @transform_0, window_bounds = array<i64: 2000, 128>}, {transform_indices = @transform_1, window_bounds = array<i64: 2000, 1>}, {pipeline_mode = #tpu.pipeline_mode<synchronous>, transform_indices = @transform_2, window_bounds = array<i64: 3, 128>}, {pipeline_mode = #tpu.pipeline_mode<synchronous>, transform_indices = @transform_3, window_bounds = array<i64: 3, 128>}, {pipeline_mode = #tpu.pipeline_mode<synchronous>, transform_indices = @transform_4, window_bounds = array<i64: 128, 512>}, {transform_indices = @transform_5, window_bounds = array<i64: 4, 2000, 128>}]} {
    %iota3A = tpu.iota {dimensions = array<i32: 1>} : vector<2000x3xi32>
    %get3A = arith.constant 0 : index
    %get3A_0 = arith.constant 0 : index
    %get3A_1 = vector.load %arg2[%get3A, %get3A_0] : memref<2000x1xi32, #tpu.memory_space<vmem>>, vector<2000x1xi32>
    %eq3A = vector.broadcast %get3A_1 : vector<2000x1xi32> to vector<2000x3xi32>
    %eq3A_2 = arith.cmpi eq, %eq3A, %iota3A : vector<2000x3xi32>
    %convert_element_type3A = arith.extui %eq3A_2 : vector<2000x3xi1> to vector<2000x3xi32>
    %convert_element_type3A_3 = arith.sitofp %convert_element_type3A : vector<2000x3xi32> to vector<2000x3xf32>
    %get3A_4 = arith.constant 0 : index
    %get3A_5 = arith.constant 0 : index
    %get3A_6 = vector.load %arg1[%get3A_4, %get3A_5] : memref<2000x128xf32, #tpu.memory_space<vmem>>, vector<2000x128xf32>
    %reduce_sum3A = arith.constant dense<0.000000e+00> : vector<2000xf32>
    %reduce_sum3A_7 = vector.multi_reduction <add>, %get3A_6, %reduce_sum3A [1] : vector<2000x128xf32> to vector<2000xf32>
    %broadcast_in_dim3A = vector.shape_cast %reduce_sum3A_7 : vector<2000xf32> to vector<2000x1xf32>
    %div3A = arith.constant 1.280000e+02 : f32
    %div3A_8 = vector.broadcast %div3A : f32 to vector<2000x1xf32>
    %div3A_9 = arith.divf %broadcast_in_dim3A, %div3A_8 : vector<2000x1xf32>
    %sub3A = vector.broadcast %div3A_9 : vector<2000x1xf32> to vector<2000x128xf32>
    %sub3A_10 = arith.subf %get3A_6, %sub3A : vector<2000x128xf32>
    %integer_pow3A = arith.mulf %sub3A_10, %sub3A_10 : vector<2000x128xf32>
    %reduce_sum3A_11 = arith.constant dense<0.000000e+00> : vector<2000xf32>
    %reduce_sum3A_12 = vector.multi_reduction <add>, %integer_pow3A, %reduce_sum3A_11 [1] : vector<2000x128xf32> to vector<2000xf32>
    %broadcast_in_dim3A_13 = vector.shape_cast %reduce_sum3A_12 : vector<2000xf32> to vector<2000x1xf32>
    %div3A_14 = arith.constant 1.280000e+02 : f32
    %div3A_15 = vector.broadcast %div3A_14 : f32 to vector<2000x1xf32>
    %div3A_16 = arith.divf %broadcast_in_dim3A_13, %div3A_15 : vector<2000x1xf32>
    %sub3A_17 = vector.broadcast %div3A_9 : vector<2000x1xf32> to vector<2000x128xf32>
    %sub3A_18 = arith.subf %get3A_6, %sub3A_17 : vector<2000x128xf32>
    %add3A = arith.constant 9.99999974E-6 : f32
    %add3A_19 = vector.broadcast %add3A : f32 to vector<2000x1xf32>
    %add3A_20 = arith.addf %div3A_16, %add3A_19 : vector<2000x1xf32>
    %rsqrt3A = math.rsqrt %add3A_20 : vector<2000x1xf32>
    %mul3A = vector.broadcast %rsqrt3A : vector<2000x1xf32> to vector<2000x128xf32>
    %mul3A_21 = arith.mulf %sub3A_18, %mul3A : vector<2000x128xf32>
    %get3A_22 = arith.constant 0 : index
    %get3A_23 = arith.constant 0 : index
    %get3A_24 = vector.load %arg3[%get3A_22, %get3A_23] : memref<3x128xf32, #tpu.memory_space<vmem>>, vector<3x128xf32>
    %dot_general3A = arith.constant dense<0.000000e+00> : vector<2000x128xf32>
    %dot_general3A_25 = tpu.matmul %convert_element_type3A_3, %get3A_24, %dot_general3A {dimension_numbers = #tpu.dot_dimension_numbers<[1], [0], [0], [1], [0, 0, 1, 1], [], []>, transpose_lhs_hint = false} : vector<2000x3xf32>, vector<3x128xf32>, vector<2000x128xf32> -> vector<2000x128xf32>
    %get3A_26 = arith.constant 0 : index
    %get3A_27 = arith.constant 0 : index
    %get3A_28 = vector.load %arg4[%get3A_26, %get3A_27] : memref<3x128xf32, #tpu.memory_space<vmem>>, vector<3x128xf32>
    %dot_general3A_29 = arith.constant dense<0.000000e+00> : vector<2000x128xf32>
    %dot_general3A_30 = tpu.matmul %convert_element_type3A_3, %get3A_28, %dot_general3A_29 {dimension_numbers = #tpu.dot_dimension_numbers<[1], [0], [0], [1], [0, 0, 1, 1], [], []>, transpose_lhs_hint = false} : vector<2000x3xf32>, vector<3x128xf32>, vector<2000x128xf32> -> vector<2000x128xf32>
    %mul3A_31 = arith.mulf %mul3A_21, %dot_general3A_25 : vector<2000x128xf32>
    %add3A_32 = arith.addf %mul3A_31, %dot_general3A_30 : vector<2000x128xf32>
    %max3A = arith.constant 0.000000e+00 : f32
    %max3A_33 = vector.broadcast %max3A : f32 to vector<2000x128xf32>
    %max3A_34 = arith.maximumf %add3A_32, %max3A_33 : vector<2000x128xf32>
    %get3A_35 = arith.constant 0 : index
    %get3A_36 = arith.constant 0 : index
    %get3A_37 = vector.load %arg5[%get3A_35, %get3A_36] : memref<128x512xf32, #tpu.memory_space<vmem>>, vector<128x512xf32>
    %dot_general3A_38 = arith.constant dense<0.000000e+00> : vector<2000x512xf32>
    %dot_general3A_39 = tpu.matmul %max3A_34, %get3A_37, %dot_general3A_38 {dimension_numbers = #tpu.dot_dimension_numbers<[1], [0], [0], [1], [0, 0, 1, 1], [], []>, transpose_lhs_hint = false} : vector<2000x128xf32>, vector<128x512xf32>, vector<2000x512xf32> -> vector<2000x512xf32>
    %slice3A = vector.extract_strided_slice %dot_general3A_39 {offsets = [0, 0], sizes = [2000, 128], strides = [1, 1]} : vector<2000x512xf32> to vector<2000x128xf32>
    %swap3A = arith.constant 0 : index
    %swap3A_40 = arith.constant 0 : index
    %swap3A_41 = arith.constant 0 : index
    %swap3A_42 = vector.load %arg6[%swap3A, %swap3A_40, %swap3A_41] : memref<4x2000x128xf32, #tpu.memory_space<vmem>>, vector<1x2000x128xf32>
    %swap3A_43 = vector.shape_cast %swap3A_42 : vector<1x2000x128xf32> to vector<2000x128xf32>
    %swap3A_44 = vector.shape_cast %slice3A : vector<2000x128xf32> to vector<1x2000x128xf32>
    tpu.vector_store %arg6[%swap3A, %swap3A_40, %swap3A_41], %swap3A_44 {strides = array<i32>} : memref<4x2000x128xf32, #tpu.memory_space<vmem>>, vector<1x2000x128xf32>,
    %slice3A_45 = vector.extract_strided_slice %dot_general3A_39 {offsets = [0, 128], sizes = [2000, 128], strides = [1, 1]} : vector<2000x512xf32> to vector<2000x128xf32>
    %swap3A_46 = arith.constant 1 : index
    %swap3A_47 = arith.constant 0 : index
    %swap3A_48 = arith.constant 0 : index
    %swap3A_49 = vector.load %arg6[%swap3A_46, %swap3A_47, %swap3A_48] : memref<4x2000x128xf32, #tpu.memory_space<vmem>>, vector<1x2000x128xf32>
    %swap3A_50 = vector.shape_cast %swap3A_49 : vector<1x2000x128xf32> to vector<2000x128xf32>
    %swap3A_51 = vector.shape_cast %slice3A_45 : vector<2000x128xf32> to vector<1x2000x128xf32>
    tpu.vector_store %arg6[%swap3A_46, %swap3A_47, %swap3A_48], %swap3A_51 {strides = array<i32>} : memref<4x2000x128xf32, #tpu.memory_space<vmem>>, vector<1x2000x128xf32>,
    %slice3A_52 = vector.extract_strided_slice %dot_general3A_39 {offsets = [0, 256], sizes = [2000, 128], strides = [1, 1]} : vector<2000x512xf32> to vector<2000x128xf32>
    %swap3A_53 = arith.constant 2 : index
    %swap3A_54 = arith.constant 0 : index
    %swap3A_55 = arith.constant 0 : index
    %swap3A_56 = vector.load %arg6[%swap3A_53, %swap3A_54, %swap3A_55] : memref<4x2000x128xf32, #tpu.memory_space<vmem>>, vector<1x2000x128xf32>
    %swap3A_57 = vector.shape_cast %swap3A_56 : vector<1x2000x128xf32> to vector<2000x128xf32>
    %swap3A_58 = vector.shape_cast %slice3A_52 : vector<2000x128xf32> to vector<1x2000x128xf32>
    tpu.vector_store %arg6[%swap3A_53, %swap3A_54, %swap3A_55], %swap3A_58 {strides = array<i32>} : memref<4x2000x128xf32, #tpu.memory_space<vmem>>, vector<1x2000x128xf32>,
    %slice3A_59 = vector.extract_strided_slice %dot_general3A_39 {offsets = [0, 384], sizes = [2000, 128], strides = [1, 1]} : vector<2000x512xf32> to vector<2000x128xf32>
    %swap3A_60 = arith.constant 3 : index
    %swap3A_61 = arith.constant 0 : index
    %swap3A_62 = arith.constant 0 : index
    %swap3A_63 = vector.load %arg6[%swap3A_60, %swap3A_61, %swap3A_62] : memref<4x2000x128xf32, #tpu.memory_space<vmem>>, vector<1x2000x128xf32>
    %swap3A_64 = vector.shape_cast %swap3A_63 : vector<1x2000x128xf32> to vector<2000x128xf32>
    %swap3A_65 = vector.shape_cast %slice3A_59 : vector<2000x128xf32> to vector<1x2000x128xf32>
    tpu.vector_store %arg6[%swap3A_60, %swap3A_61, %swap3A_62], %swap3A_65 {strides = array<i32>} : memref<4x2000x128xf32, #tpu.memory_space<vmem>>, vector<1x2000x128xf32>,
    return
  }
  func.func @transform_0(%arg0: i32) -> (i32, i32) {
    %c0_i32 = arith.constant 0 : i32
    %c0_i32_0 = arith.constant 0 : i32
    return %arg0, %c0_i32 : i32, i32
  }
  func.func @transform_1(%arg0: i32) -> (i32, i32) {
    %c0_i32 = arith.constant 0 : i32
    %c0_i32_0 = arith.constant 0 : i32
    return %arg0, %c0_i32 : i32, i32
  }
  func.func @transform_2(%arg0: i32) -> (i32, i32) {
    %c0_i32 = arith.constant 0 : i32
    %c0_i32_0 = arith.constant 0 : i32
    %c0_i32_1 = arith.constant 0 : i32
    return %c0_i32, %c0_i32_0 : i32, i32
  }
  func.func @transform_3(%arg0: i32) -> (i32, i32) {
    %c0_i32 = arith.constant 0 : i32
    %c0_i32_0 = arith.constant 0 : i32
    %c0_i32_1 = arith.constant 0 : i32
    return %c0_i32, %c0_i32_0 : i32, i32
  }
  func.func @transform_4(%arg0: i32) -> (i32, i32) {
    %c0_i32 = arith.constant 0 : i32
    %c0_i32_0 = arith.constant 0 : i32
    %c0_i32_1 = arith.constant 0 : i32
    return %c0_i32, %c0_i32_0 : i32, i32
  }
  func.func @transform_5(%arg0: i32) -> (i32, i32, i32) {
    %c0_i32 = arith.constant 0 : i32
    %c0_i32_0 = arith.constant 0 : i32
    %c0_i32_1 = arith.constant 0 : i32
    return %c0_i32, %arg0, %c0_i32_0 : i32, i32, i32
  }
}

module attributes {stable_mosaic.version = 14 : i64} {
  func.func @_stage_c_body(%arg0: i32, %arg1: memref<2000x128xf32, #tpu.memory_space<vmem>>, %arg2: memref<2x2000x128xf32, #tpu.memory_space<vmem>>, %arg3: memref<2000x1xi32, #tpu.memory_space<vmem>>, %arg4: memref<3x128xf32, #tpu.memory_space<vmem>>, %arg5: memref<3x128xf32, #tpu.memory_space<vmem>>, %arg6: memref<128x384xf32, #tpu.memory_space<vmem>>, %arg7: memref<3x128xf32, #tpu.memory_space<vmem>>, %arg8: memref<2000x128xf32, #tpu.memory_space<vmem>>) attributes {dimension_semantics = [#tpu.dimension_semantics<arbitrary>], iteration_bounds = array<i64: 5>, scalar_prefetch = 0 : i64, scratch_operands = 0 : i64, tpu.core_type = #tpu.core_type<tc>, window_params = [{transform_indices = @transform_0, window_bounds = array<i64: 2000, 128>}, {transform_indices = @transform_1, window_bounds = array<i64: 2, 2000, 128>}, {transform_indices = @transform_2, window_bounds = array<i64: 2000, 1>}, {pipeline_mode = #tpu.pipeline_mode<synchronous>, transform_indices = @transform_3, window_bounds = array<i64: 3, 128>}, {pipeline_mode = #tpu.pipeline_mode<synchronous>, transform_indices = @transform_4, window_bounds = array<i64: 3, 128>}, {pipeline_mode = #tpu.pipeline_mode<synchronous>, transform_indices = @transform_5, window_bounds = array<i64: 128, 384>}, {pipeline_mode = #tpu.pipeline_mode<synchronous>, transform_indices = @transform_6, window_bounds = array<i64: 3, 128>}, {transform_indices = @transform_7, window_bounds = array<i64: 2000, 128>}]} {
    %get3A = arith.constant 0 : index
    %get3A_0 = arith.constant 0 : index
    %get3A_1 = vector.load %arg1[%get3A, %get3A_0] : memref<2000x128xf32, #tpu.memory_space<vmem>>, vector<2000x128xf32>
    %get3A_2 = arith.constant 0 : index
    %get3A_3 = arith.constant 0 : index
    %get3A_4 = arith.constant 0 : index
    %get3A_5 = vector.load %arg2[%get3A_2, %get3A_3, %get3A_4] : memref<2x2000x128xf32, #tpu.memory_space<vmem>>, vector<1x2000x128xf32>
    %get3A_6 = vector.shape_cast %get3A_5 : vector<1x2000x128xf32> to vector<2000x128xf32>
    %add3A = arith.addf %get3A_1, %get3A_6 : vector<2000x128xf32>
    %get3A_7 = arith.constant 1 : index
    %get3A_8 = arith.constant 0 : index
    %get3A_9 = arith.constant 0 : index
    %get3A_10 = vector.load %arg2[%get3A_7, %get3A_8, %get3A_9] : memref<2x2000x128xf32, #tpu.memory_space<vmem>>, vector<1x2000x128xf32>
    %get3A_11 = vector.shape_cast %get3A_10 : vector<1x2000x128xf32> to vector<2000x128xf32>
    %add3A_12 = arith.addf %add3A, %get3A_11 : vector<2000x128xf32>
    %iota3A = tpu.iota {dimensions = array<i32: 1>} : vector<2000x3xi32>
    %get3A_13 = arith.constant 0 : index
    %get3A_14 = arith.constant 0 : index
    %get3A_15 = vector.load %arg3[%get3A_13, %get3A_14] : memref<2000x1xi32, #tpu.memory_space<vmem>>, vector<2000x1xi32>
    %eq3A = vector.broadcast %get3A_15 : vector<2000x1xi32> to vector<2000x3xi32>
    %eq3A_16 = arith.cmpi eq, %eq3A, %iota3A : vector<2000x3xi32>
    %convert_element_type3A = arith.extui %eq3A_16 : vector<2000x3xi1> to vector<2000x3xi32>
    %convert_element_type3A_17 = arith.sitofp %convert_element_type3A : vector<2000x3xi32> to vector<2000x3xf32>
    %reduce_sum3A = arith.constant dense<0.000000e+00> : vector<2000xf32>
    %reduce_sum3A_18 = vector.multi_reduction <add>, %add3A_12, %reduce_sum3A [1] : vector<2000x128xf32> to vector<2000xf32>
    %broadcast_in_dim3A = vector.shape_cast %reduce_sum3A_18 : vector<2000xf32> to vector<2000x1xf32>
    %div3A = arith.constant 1.280000e+02 : f32
    %div3A_19 = vector.broadcast %div3A : f32 to vector<2000x1xf32>
    %div3A_20 = arith.divf %broadcast_in_dim3A, %div3A_19 : vector<2000x1xf32>
    %sub3A = vector.broadcast %div3A_20 : vector<2000x1xf32> to vector<2000x128xf32>
    %sub3A_21 = arith.subf %add3A_12, %sub3A : vector<2000x128xf32>
    %integer_pow3A = arith.mulf %sub3A_21, %sub3A_21 : vector<2000x128xf32>
    %reduce_sum3A_22 = arith.constant dense<0.000000e+00> : vector<2000xf32>
    %reduce_sum3A_23 = vector.multi_reduction <add>, %integer_pow3A, %reduce_sum3A_22 [1] : vector<2000x128xf32> to vector<2000xf32>
    %broadcast_in_dim3A_24 = vector.shape_cast %reduce_sum3A_23 : vector<2000xf32> to vector<2000x1xf32>
    %div3A_25 = arith.constant 1.280000e+02 : f32
    %div3A_26 = vector.broadcast %div3A_25 : f32 to vector<2000x1xf32>
    %div3A_27 = arith.divf %broadcast_in_dim3A_24, %div3A_26 : vector<2000x1xf32>
    %sub3A_28 = vector.broadcast %div3A_20 : vector<2000x1xf32> to vector<2000x128xf32>
    %sub3A_29 = arith.subf %add3A_12, %sub3A_28 : vector<2000x128xf32>
    %add3A_30 = arith.constant 9.99999974E-6 : f32
    %add3A_31 = vector.broadcast %add3A_30 : f32 to vector<2000x1xf32>
    %add3A_32 = arith.addf %div3A_27, %add3A_31 : vector<2000x1xf32>
    %rsqrt3A = math.rsqrt %add3A_32 : vector<2000x1xf32>
    %mul3A = vector.broadcast %rsqrt3A : vector<2000x1xf32> to vector<2000x128xf32>
    %mul3A_33 = arith.mulf %sub3A_29, %mul3A : vector<2000x128xf32>
    %get3A_34 = arith.constant 0 : index
    %get3A_35 = arith.constant 0 : index
    %get3A_36 = vector.load %arg4[%get3A_34, %get3A_35] : memref<3x128xf32, #tpu.memory_space<vmem>>, vector<3x128xf32>
    %dot_general3A = arith.constant dense<0.000000e+00> : vector<2000x128xf32>
    %dot_general3A_37 = tpu.matmul %convert_element_type3A_17, %get3A_36, %dot_general3A {dimension_numbers = #tpu.dot_dimension_numbers<[1], [0], [0], [1], [0, 0, 1, 1], [], []>, transpose_lhs_hint = false} : vector<2000x3xf32>, vector<3x128xf32>, vector<2000x128xf32> -> vector<2000x128xf32>
    %get3A_38 = arith.constant 0 : index
    %get3A_39 = arith.constant 0 : index
    %get3A_40 = vector.load %arg5[%get3A_38, %get3A_39] : memref<3x128xf32, #tpu.memory_space<vmem>>, vector<3x128xf32>
    %dot_general3A_41 = arith.constant dense<0.000000e+00> : vector<2000x128xf32>
    %dot_general3A_42 = tpu.matmul %convert_element_type3A_17, %get3A_40, %dot_general3A_41 {dimension_numbers = #tpu.dot_dimension_numbers<[1], [0], [0], [1], [0, 0, 1, 1], [], []>, transpose_lhs_hint = false} : vector<2000x3xf32>, vector<3x128xf32>, vector<2000x128xf32> -> vector<2000x128xf32>
    %mul3A_43 = arith.mulf %mul3A_33, %dot_general3A_37 : vector<2000x128xf32>
    %add3A_44 = arith.addf %mul3A_43, %dot_general3A_42 : vector<2000x128xf32>
    %max3A = arith.constant 0.000000e+00 : f32
    %max3A_45 = vector.broadcast %max3A : f32 to vector<2000x128xf32>
    %max3A_46 = arith.maximumf %add3A_44, %max3A_45 : vector<2000x128xf32>
    %get3A_47 = arith.constant 0 : index
    %get3A_48 = arith.constant 0 : index
    %get3A_49 = vector.load %arg6[%get3A_47, %get3A_48] : memref<128x384xf32, #tpu.memory_space<vmem>>, vector<128x384xf32>
    %dot_general3A_50 = arith.constant dense<0.000000e+00> : vector<2000x384xf32>
    %dot_general3A_51 = tpu.matmul %max3A_46, %get3A_49, %dot_general3A_50 {dimension_numbers = #tpu.dot_dimension_numbers<[1], [0], [0], [1], [0, 0, 1, 1], [], []>, transpose_lhs_hint = false} : vector<2000x128xf32>, vector<128x384xf32>, vector<2000x384xf32> -> vector<2000x384xf32>
    %get3A_52 = arith.constant 0 : index
    %get3A_53 = arith.constant 0 : index
    %get3A_54 = vector.load %arg7[%get3A_52, %get3A_53] : memref<3x128xf32, #tpu.memory_space<vmem>>, vector<3x128xf32>
    %dot_general3A_55 = arith.constant dense<0.000000e+00> : vector<2000x128xf32>
    %dot_general3A_56 = tpu.matmul %convert_element_type3A_17, %get3A_54, %dot_general3A_55 {dimension_numbers = #tpu.dot_dimension_numbers<[1], [0], [0], [1], [0, 0, 1, 1], [], []>, transpose_lhs_hint = false} : vector<2000x3xf32>, vector<3x128xf32>, vector<2000x128xf32> -> vector<2000x128xf32>
    %add3A_57 = arith.addf %add3A_12, %dot_general3A_56 : vector<2000x128xf32>
    %slice3A = vector.extract_strided_slice %convert_element_type3A_17 {offsets = [0, 0], sizes = [2000, 1], strides = [1, 1]} : vector<2000x3xf32> to vector<2000x1xf32>
    %squeeze3A = vector.shape_cast %slice3A : vector<2000x1xf32> to vector<2000xf32>
    %broadcast_in_dim3A_58 = vector.shape_cast %squeeze3A : vector<2000xf32> to vector<2000x1xf32>
    %slice3A_59 = vector.extract_strided_slice %dot_general3A_51 {offsets = [0, 0], sizes = [2000, 128], strides = [1, 1]} : vector<2000x384xf32> to vector<2000x128xf32>
    %mul3A_60 = vector.broadcast %broadcast_in_dim3A_58 : vector<2000x1xf32> to vector<2000x128xf32>
    %mul3A_61 = arith.mulf %mul3A_60, %slice3A_59 : vector<2000x128xf32>
    %add3A_62 = arith.addf %add3A_57, %mul3A_61 : vector<2000x128xf32>
    %slice3A_63 = vector.extract_strided_slice %convert_element_type3A_17 {offsets = [0, 1], sizes = [2000, 1], strides = [1, 1]} : vector<2000x3xf32> to vector<2000x1xf32>
    %squeeze3A_64 = vector.shape_cast %slice3A_63 : vector<2000x1xf32> to vector<2000xf32>
    %broadcast_in_dim3A_65 = vector.shape_cast %squeeze3A_64 : vector<2000xf32> to vector<2000x1xf32>
    %slice3A_66 = vector.extract_strided_slice %dot_general3A_51 {offsets = [0, 128], sizes = [2000, 128], strides = [1, 1]} : vector<2000x384xf32> to vector<2000x128xf32>
    %mul3A_67 = vector.broadcast %broadcast_in_dim3A_65 : vector<2000x1xf32> to vector<2000x128xf32>
    %mul3A_68 = arith.mulf %mul3A_67, %slice3A_66 : vector<2000x128xf32>
    %add3A_69 = arith.addf %add3A_62, %mul3A_68 : vector<2000x128xf32>
    %slice3A_70 = vector.extract_strided_slice %convert_element_type3A_17 {offsets = [0, 2], sizes = [2000, 1], strides = [1, 1]} : vector<2000x3xf32> to vector<2000x1xf32>
    %squeeze3A_71 = vector.shape_cast %slice3A_70 : vector<2000x1xf32> to vector<2000xf32>
    %broadcast_in_dim3A_72 = vector.shape_cast %squeeze3A_71 : vector<2000xf32> to vector<2000x1xf32>
    %slice3A_73 = vector.extract_strided_slice %dot_general3A_51 {offsets = [0, 256], sizes = [2000, 128], strides = [1, 1]} : vector<2000x384xf32> to vector<2000x128xf32>
    %mul3A_74 = vector.broadcast %broadcast_in_dim3A_72 : vector<2000x1xf32> to vector<2000x128xf32>
    %mul3A_75 = arith.mulf %mul3A_74, %slice3A_73 : vector<2000x128xf32>
    %add3A_76 = arith.addf %add3A_69, %mul3A_75 : vector<2000x128xf32>
    %swap3A = arith.constant 0 : index
    %swap3A_77 = arith.constant 0 : index
    %swap3A_78 = vector.load %arg8[%swap3A, %swap3A_77] : memref<2000x128xf32, #tpu.memory_space<vmem>>, vector<2000x128xf32>
    tpu.vector_store %arg8[%swap3A, %swap3A_77], %add3A_76 {strides = array<i32>} : memref<2000x128xf32, #tpu.memory_space<vmem>>, vector<2000x128xf32>,
    return
  }
  func.func @transform_0(%arg0: i32) -> (i32, i32) {
    %c0_i32 = arith.constant 0 : i32
    %c0_i32_0 = arith.constant 0 : i32
    return %arg0, %c0_i32 : i32, i32
  }
  func.func @transform_1(%arg0: i32) -> (i32, i32, i32) {
    %c0_i32 = arith.constant 0 : i32
    %c0_i32_0 = arith.constant 0 : i32
    %c0_i32_1 = arith.constant 0 : i32
    return %c0_i32, %arg0, %c0_i32_0 : i32, i32, i32
  }
  func.func @transform_2(%arg0: i32) -> (i32, i32) {
    %c0_i32 = arith.constant 0 : i32
    %c0_i32_0 = arith.constant 0 : i32
    return %arg0, %c0_i32 : i32, i32
  }
  func.func @transform_3(%arg0: i32) -> (i32, i32) {
    %c0_i32 = arith.constant 0 : i32
    %c0_i32_0 = arith.constant 0 : i32
    %c0_i32_1 = arith.constant 0 : i32
    return %c0_i32, %c0_i32_0 : i32, i32
  }
  func.func @transform_4(%arg0: i32) -> (i32, i32) {
    %c0_i32 = arith.constant 0 : i32
    %c0_i32_0 = arith.constant 0 : i32
    %c0_i32_1 = arith.constant 0 : i32
    return %c0_i32, %c0_i32_0 : i32, i32
  }
  func.func @transform_5(%arg0: i32) -> (i32, i32) {
    %c0_i32 = arith.constant 0 : i32
    %c0_i32_0 = arith.constant 0 : i32
    %c0_i32_1 = arith.constant 0 : i32
    return %c0_i32, %c0_i32_0 : i32, i32
  }
  func.func @transform_6(%arg0: i32) -> (i32, i32) {
    %c0_i32 = arith.constant 0 : i32
    %c0_i32_0 = arith.constant 0 : i32
    %c0_i32_1 = arith.constant 0 : i32
    return %c0_i32, %c0_i32_0 : i32, i32
  }
  func.func @transform_7(%arg0: i32) -> (i32, i32) {
    %c0_i32 = arith.constant 0 : i32
    %c0_i32_0 = arith.constant 0 : i32
    return %arg0, %c0_i32 : i32, i32
  }
}

</mosaic_0001>

<sc_bundles>
// kernel: kernel.5.cloned.1.call-start
scs
__scs_entry_jumppad:
0x0: {  	(pc) =	sbr.rel $0x88, $3  }
0x1: {  	(tag) =	ssettag $0x0;
	lr =	simm.s32 $0x1  }
0x2: {  	[smem:$0x3F96] =	sst lr;
	_ =	strace $0xD0000000  }
0x3: {  	_ = 	snop  }
0x4: {  	_ = 	snop  }
0x5: {  	_ = 	snop  }
0x6: {  	_ = 	snop  }
0x7: {  	_ = 	snop  }
__scs_overlays_trampoline_lowered:
0x8: {  	[smem:$0x3FA5] =	sst s0  }
0x9: {  	[smem:$0x3FA6] =	sst s1  }
0xa: {  	[smem:$0x3FA7] =	sst s2  }
0xb: {  	[smem:$0x3FA8] =	sst s3  }
0xc: {  	[smem:$0x3FA9] =	sst s4  }
0xd: {  	[smem:$0x3FAA] =	sst s5  }
0xe: {  	[smem:$0x3FAB] =	sst s6  }
0xf: {  	[smem:$0x3FAC] =	sst s7  }
0x10: {  	[smem:$0x3FAD] =	sst s8  }
0x11: {  	[smem:$0x3FAE] =	sst s9;
	s0 =	simm.s32 @!p0 $0x0  }
0x12: {  	s1 =	sld [smem:$0x3F94];
	s0 =	simm.s32 @p0 $0x1  }
0x13: {  	[smem:$0x3FAF] =	sst s0;
	s0 =	simm.s32 @!p1 $0x0  }
0x14: {  	s2 =	sld [smem:$0x3F93];
	s0 =	simm.s32 @p1 $0x1  }
0x15: {  	[smem:$0x3FB0] =	sst s0;
	s0 =	simm.s32 @!p2 $0x0  }
0x16: {  	s3 =	sld [smem:$0x3FDB];
	s0 =	simm.s32 @p2 $0x1  }
0x17: {  	s4 =	simm.s32 $0x1BF5;
	[smem:$0x3FB2] =	sst s0  }
0x18: {  	s0 =	sld [smem:$0x3F95];
	_ =	swait.ge [sflag:s4], $0x0  }
0x19: {  	s7 =	sld [smem:$0x3F96]  }
0x1a: {  	s8 =	sadd.s32 $0xFFFFE003, lr  }
0x1b: {  	s9 =	sadd.s32 $0xFFFFFEF7, lr;
	s5 =	simm.s32 $0xFFFFFFFF;
	p2 =	slt.u32 s8, $0xFFFFF086  }
0x1c: {  	p1 =	slt.u32 s9, $0xF7A;
	s5 =	simm.s32 @!p2 $0x0  }
0x1d: {  	s5 =	simm.s32 @p1 $0x1;
	p0 =	seq.s32 s7, s2  }
0x1e: {  	s7 =	smul.u32 @!p0 $0xF7A, s2;
	p2 =	seq.s32 @!p0 s5, $0x0  }
0x1f: {  	s9 =	smul.u32 $0xF7A, s1;
	s8 =	simm.s32 @!p0 $0x1BF5;
	p2 =	por !p2, p0  }
0x20: {  	[sflag:s8] =	ssyncset.s32 @!p0 $0xFFFFF086;
	s6 =	sadd.s32 @!p0 s3, s7;
	s7 =	simm.s32 @!p0 $0x108  }
0x21: {  	s3 =	sadd.s32 s3, s9;
	s6 =	sadd.s32 @!p0 $0x88, s6;
	s7 =	simm.s32 @p2 $0x1082  }
0x22: {  	[simem:s7], [sflag:s8] =	dma.local @!p0 [hbm:s6], $0xF7A  }
0x23: {  	s9 =	sor.u32 $0xD0000000, s2;
	s6 =	simm.s32 $0x108;
	_ =	swait.ge @!p0 [sflag:s8], $0x0  }
0x24: {  	s3 =	sadd.s32 $0x88, s3;
	s6 =	simm.s32 @!p1 $0x1082;
	[sflag:s4] =	ssyncset.s32 $0xFFFFF086  }
0x25: {  	[simem:s6], [sflag:s4] =	dma.local [hbm:s3], $0xF7A  }
0x26: {  	[smem:$0x3F96] =	sst s1;
	(tag) =	ssettag s2;
	_ =	strace s9  }
0x27: {  	s1 =	sld [smem:$0x3FA6]  }
0x28: {  	s2 =	sld [smem:$0x3FA7]  }
0x29: {  	s4 =	sld [smem:$0x3FA9]  }
0x2a: {  	p0 =	seq.s32 s5, $0x0;
	s5 =	sld [smem:$0x3FAA]  }
0x2b: {  	s6 =	sld [smem:$0x3FAB]  }
0x2c: {  	s7 =	sld [smem:$0x3FAC]  }
0x2d: {  	s3 =	simm.s32 $0x108;
	s8 =	sld [smem:$0x3FAD]  }
0x2e: {  	s3 =	simm.s32 @!p0 $0x1082;
	s9 =	sld [smem:$0x3FAE]  }
0x2f: {  	lr =	sadd.s32 s0, s3;
	s0 =	sld [smem:$0x3FA5]  }
0x30: {  	s3 =	sld [smem:$0x3FA8]  }
0x31: {  	[smem:$0x3FB1] =	sst s10  }
0x32: {  	s10 =	sld [smem:$0x3FAF];
	_ =	sdelay $0x3  }
0x33: {  	p0 =	seq.s32 s10, $0x1;
	s10 =	sld [smem:$0x3FB1];
	_ =	sdelay $0x3  }
0x34: {  	[smem:$0x3FB1] =	sst s10  }
0x35: {  	s10 =	sld [smem:$0x3FB0];
	_ =	sdelay $0x3  }
0x36: {  	p1 =	seq.s32 s10, $0x1;
	s10 =	sld [smem:$0x3FB1];
	_ =	sdelay $0x3  }
0x37: {  	[smem:$0x3FB1] =	sst s10  }
0x38: {  	s10 =	sld [smem:$0x3FB2]  }
0x39: {  	_ = 	snop;
	(pc) =	sbr.ind lr, $3  }
0x3a: {  	_ = 	snop  }
0x3b: {  	_ = 	snop  }
0x3c: {  	p2 =	seq.s32 s10, $0x1;
	s10 =	sld [smem:$0x3FB1]  }
0x3d: {  	_ =	shalt  }
0x3e: {  	_ =	shalt  }
0x3f: {  	_ =	shalt  }
0x40: {  	_ =	shalt  }
0x41: {  	_ =	shalt  }
0x42: {  	_ =	shalt  }
0x43: {  	_ =	shalt  }
0x44: {  	_ =	shalt  }
0x45: {  	_ =	shalt  }
0x46: {  	_ =	shalt  }
0x47: {  	_ =	shalt  }
0x48: {  	_ =	shalt  }
0x49: {  	_ =	shalt  }
0x4a: {  	_ =	shalt  }
0x4b: {  	_ =	shalt  }
0x4c: {  	_ =	shalt  }
0x4d: {  	_ =	shalt  }
0x4e: {  	_ =	shalt  }
0x4f: {  	_ =	shalt  }
0x50: {  	_ =	shalt  }
0x51: {  	_ =	shalt  }
0x52: {  	_ =	shalt  }
0x53: {  	_ =	shalt  }
0x54: {  	_ =	shalt  }
0x55: {  	_ =	shalt  }
0x56: {  	_ =	shalt  }
0x57: {  	_ =	shalt  }
0x58: {  	_ =	shalt  }
0x59: {  	_ =	shalt  }
0x5a: {  	_ =	shalt  }
0x5b: {  	_ =	shalt  }
0x5c: {  	_ =	shalt  }
0x5d: {  	_ =	shalt  }
0x5e: {  	_ =	shalt  }
0x5f: {  	_ =	shalt  }
0x60: {  	_ =	shalt  }
0x61: {  	_ =	shalt  }
0x62: {  	_ =	shalt  }
0x63: {  	_ =	shalt  }
0x64: {  	_ =	shalt  }
0x65: {  	_ =	shalt  }
0x66: {  	_ =	shalt  }
0x67: {  	_ =	shalt  }
0x68: {  	_ =	shalt  }
0x69: {  	_ =	shalt  }
0x6a: {  	_ =	shalt  }
0x6b: {  	_ =	shalt  }
0x6c: {  	_ =	shalt  }
0x6d: {  	_ =	shalt  }
0x6e: {  	_ =	shalt  }
0x6f: {  	_ =	shalt  }
0x70: {  	_ =	shalt  }
0x71: {  	_ =	shalt  }
0x72: {  	_ =	shalt  }
0x73: {  	_ =	shalt  }
0x74: {  	_ =	shalt  }
0x75: {  	_ =	shalt  }
0x76: {  	_ =	shalt  }
0x77: {  	_ =	shalt  }
0x78: {  	_ =	shalt  }
0x79: {  	_ =	shalt  }
0x7a: {  	_ =	shalt  }
0x7b: {  	_ =	shalt  }
0x7c: {  	_ =	shalt  }
0x7d: {  	_ =	shalt  }
0x7e: {  	_ =	shalt  }
0x7f: {  	_ =	shalt  }
0x80: {  	_ =	shalt  }
0x81: {  	_ =	shalt  }
0x82: {  	_ =	shalt  }
0x83: {  	_ =	shalt  }
0x84: {  	_ =	shalt  }
0x85: {  	_ =	shalt  }
0x86: {  	_ =	shalt  }
0x87: {  	_ =	shalt  }
.Lfunc_end0:
.L_simem_size_0:
called_computation_lowered:
.L_overlay_start_0:
0x88: {  	s2 =	sld [smem:$0x3FD9]  }
0x89: {  	s3 =	sld [smem:$0x3FFE];
	_ =	sdelay $0x1  }
0x8a: {  	s1 =	srdreg.scid  }
0x8b: {  	s0 =	sand.u32 $0x1, s1  }
0x8c: {  	s17 =	sshll.u32 s0, $0xA;
	s2 =	sadd.s32 s3, s2  }
0x8d: {  	s2 =	sadd.s32 s2, s17  }
0x8e: {  	[smem:$0x3FBD] =	sst s2  }
0x8f: {  	_ = 	snop  }
0x90: {  	s2 =	sld [smem:$0x3FD0];
	(tm) =	ssettm $0x1  }
0x91: {  	s18 =	sld [smem:$0x3FFB];
	_ =	sdelay $0x3  }
0x92: {  	_ =	strace s18  }
0x93: {  	s3 =	sld [smem:$0x3FFC];
	_ =	sdelay $0x3  }
0x94: {  	_ =	strace s3  }
0x95: {  	s3 =	sld [smem:$0x3FFD];
	_ =	sdelay $0x3  }
0x96: {  	_ =	strace s3  }
0x97: {  	_ =	strace $0x8FFFFFFF  }
0x98: {  	s19 =	sld [smem:$0x3FDB];
	_ =	sdelay $0x1  }
0x99: {  	s4 =	simm.s32 $_scs_section_size  }
0x9a: {  	s5 =	simm.s32 $_size__tile_overlayer_lowered;
	s6 =	simm.s32 $_tile_overlayer_lowered  }
0x9b: {  	s22 =	simm.s32 $0x1BFF;
	s21 =	sshll.u32 s6, $0x1;
	s3 =	sadd.s32 s4, s19  }
0x9c: {  	s7 =	simm.s32 $0x0;
	s20 =	sshll.u32 s5, $0x1;
	s5 =	sadd.s32 s21, s3  }
0x9d: {  	[timem:s7], [sflag:s22] =	dma.local [hbm:s5], s20  }
0x9e: {  	_ =	swait.ge [sflag:s22], s20  }
0x9f: {  	s4 =	ssub.s32 $0x0, s20;
	[sflag:s22] =	ssyncset.done $0x0  }
0xa0: {  	[sflag:s22] =	ssyncadd.s32 s4;
	_ =	sdelay $0x1  }
0xa1: {  	s23 =	simm.s32 $0x1B8B  }
0xa2: {  	_ =	swait.ge [sflag:s23], $0x1  }
0xa3: {  	[sflag:s23] =	ssyncset.done $0x0  }
0xa4: {  	s25 =	simm.s32 $0x1B8E;
	s24 =	sld [smem:$0x3FFE];
	[sflag:s23] =	ssyncadd.s32 $0xFFFFFFFF  }
0xa5: {  	s26 =	simm.s32 $execute0_lowered;
	[smem:$0x3FD2] =	sst s25  }
0xa6: {  	s5 =	sshll.u32 s26, $0x1;
	_ =	strace $0x80000046;
	[dreg:$0x1] =	wrdreg $0xFFFFFFFF  }
0xa7: {  	s28 =	simm.s32 $_size_execute0_lowered;
	s3 =	sadd.s32 s3, s5;
	[dreg:$0x0] =	wrdreg $0x0  }
0xa8: {  	s5 =	sshll.u32 s28, $0x1;
	[dreg:$0x2] =	wrdreg s3  }
0xa9: {  	[dreg:$0x3] =	wrdreg s5  }
0xaa: {  	[dreg:$0x4] =	wrdreg $0xC0  }
0xab: {  	_ =	task [dreg:s7], $0x5FFFF  }
0xac: {  	[dreg:$0x1] =	wrdreg $0xFFFFFFFF  }
0xad: {  	[dreg:$0x0] =	wrdreg $0x60  }
0xae: {  	[dreg:$0x2] =	wrdreg s24  }
0xaf: {  	[dreg:$0x3] =	wrdreg s2  }
0xb0: {  	[dreg:$0x4] =	wrdreg $0x82000  }
0xb1: {  	[dreg:$0x5] =	wrdreg $0x9  }
0xb2: {  	_ =	task.clear_ibuf [dreg:s7], $0x6FFFF;
	_ =	strace $0x90000046  }
0xb3: {  	s29 =	simm.s32 $0x9;
	_ =	strace $0x80000048  }
0xb4: {  	_ =	swait.ge [sflag:s29], $0x1  }
0xb5: {  	[sflag:s29] =	ssyncadd.s32 $0xFFFFFFFF  }
0xb6: {  	_ =	strace $0x90000048  }
0xb7: {  	_ =	sfence  }
0xb8: {  	s30 =	sld [smem:$0x0];
	_ =	sdelay $0x2  }
0xb9: {  	s31 =	sshll.u32 s1, $0xD;
	s1 =	sshrl.u32 s1, $0x2  }
0xba: {  	s3 =	sand.u32 $0x4000, s31;
	s1 =	sadd.s32 s1, s30  }
0xbb: {  	s0 =	sor.u32 s3, s0;
	s1 =	sshll.u32 s1, $0x11  }
0xbc: {  	s0 =	sor.u32 s1, s0  }
0xbd: {  	s0 =	sadd.s32 $0x8F2B, s0  }
0xbe: {  	[sflag:s0] =	ssyncadd.remote.s32 $0x1  }
0xbf: {  	_ =	sfence.sel $0xFFFF  }
0xc0: {  	[dreg:$0x0] =	wrdreg $0xFFFFFFFF;
	(pc) =	sbr.abs _section_cstart, $3  }
0xc1: {  	[dreg:$0x1] =	wrdreg $0xFFFFFFFF  }
0xc2: {  	_ =	task.clear_ibuf [dreg:s7], $0x2FFFF;
	_ =	strace $0x9FFFFFFF  }
0xc3: {  	(tm) =	ssettm $0x7FFFFFFF  }
tec
execute0_lowered:
.L_overlay_start_1:
0x0: {  	(tag) =	ssettag $0x1  }
0x1: {  	s0 =	rddreg [dreg:$0x0]  }
0x2: {  	s1 =	rddreg [dreg:$0x1]  }
0x3: {  	s2 =	rddreg [dreg:$0x2];
	s11 =	stileid.u32  }
0x4: {  	s3 =	srdreg.scid;
	s4 =	simm.s32 $0x0;
	s8 =	smul.u32 $0x13C00, s11  }
0x5: {  	s31 =	simm.s32 $0x4200;
	s28 =	simm.s32 $0x0;
	s18 =	smul.u32 $0x4D, s11  }
0x6: {  	s3 =	sand.u32 $0x1, s3;
	[smem:$0x7FF] =	sst s4;
	s9 =	smul.u32 $0x50, s11  }
0x7: {  	s5 =	sadd.s32 $0xBC00, s0;
	s6 =	sadd.s32 $0x1E00, s0;
	s20 =	smul.u32 $0x4F000, s11  }
0x8: {  	s17 =	sadd.s32 $0xA8000, s0;
	s22 =	sshll.u32 s11, $0x6;
	s7 =	smul.u32 $0x13C000, s3  }
0x9: {  	_ =	strace $0x80000047;
	[dreg:$0x6] =	wrdreg s17;
	s19 =	ssub.s32 $0x2, s3  }
0xa: {  	p0 =	seq.s32 s3, $0x0;
	[dreg:$0x5] =	wrdreg s31;
	s3 =	sadd.s32 $0x500, s18  }
0xb: {  	s10 =	sshrl.u32 s19, $0x1;
	s7 =	sadd.s32 s8, s7;
	s3 =	smov.u32 @p0 s9  }
0xc: {  	s8 =	simm.s32 $0x50;
	s9 =	sshrl.u32 s20, $0x2;
	s20 =	simm.s32 $0x100  }
0xd: {  	s7 =	sshrl.u32 s7, $0x3;
	s8 =	simm.s32 @!p0 $0x4D;
	s21 =	ssub.s32 $0x9C4, s3  }
0xe: {  	s23 =	sadd.s32 s9, s2;
	s9 =	sor.u32 $0x1C05, s22;
	s22 =	simm.s32 $0x80  }
0xf: {  	s0 =	sadd.s32 s7, s0;
	s7 =	ssub.s32 s19, s10;
	s8 =	smin.u32 s8, s21  }
0x10: {  	s10 =	sshll.u32 s3, $0x4;
	s18 =	sshrl.u32 s23, $0x3;
	s19 =	simm.s32 $0x5  }
0x11: {  	s23 =	simm.s32 $0x1;
	s3 =	sadd.s32 s1, s10;
	s24 =	sadd.s32 s6, s10  }
0x12: {  	s25 =	sadd.s32 $0x10, s10;
	s26 =	sadd.s32 $0xFFFFFFFF, s8;
	[dreg:$0x7] =	wrdreg s3  }
0x13: {  	s29 =	sshrl.u32 s8, $0x1;
	s30 =	sand.u32 $0x1, s8;
	[dreg:$0x8] =	wrdreg s24  }
0x14: {  	s16 =	sadd.s32 $0xAA800, s0;
	s17 =	smax.u32 s7, $0x1;
	[dreg:$0xb] =	wrdreg s29  }
0x15: {  	s12 =	sadd.s32 s1, s25;
	s3 =	sadd.s32 s6, s25;
	[dreg:$0x4] =	wrdreg s26  }
0x16: {  	s24 =	simm.s32 $0x200;
	p0 =	seq.s32 s30, $0x0;
	[dreg:$0x9] =	wrdreg s12  }
0x17: {  	s25 =	simm.s32 $0x3;
	s26 =	simm.s32 $0x4;
	[dreg:$0xa] =	wrdreg s3  }
.LBB2_1:
0x18: {  	s0 =	rddreg [dreg:$0x6]  }
0x19: {  	[spmem:s18], [sflag:s9] =	dma.local [hbm:s0], $0x2780  }
0x1a: {  	_ =	swait.ge [sflag:s19], $0x2780  }
0x1b: {  	[sflag:s19] =	ssyncset.done $0x0  }
0x1c: {  	[sflag:s19] =	ssyncadd.s32 $0xFFFFD880  }
0x1d: {  	[bflag:$0x0] =	sbarrier.arrive $0xFFFF  }
0x1e: {  	s12 =	rddreg [dreg:$0x7]  }
0x1f: {  	[tilespmem:s20], [sflag:$0x1] =	stream.linear.gather [hbm4b:s12+s4], $0x80, $0x38;
	[tilespmem:$0x1BE00] =	vst v63  }
0x20: {  	s13 =	rddreg [dreg:$0x8]  }
0x21: {  	[tilespmem:s4], [sflag:$0x1] =	stream.linear.gather [hbm4b:s13+s4], $0x80, $0x38;
	[tilespmem:$0x1BE00] =	vst v63  }
0x22: {  	s3 =	simm.s32 $0x180;
	s14 =	rddreg [dreg:$0x9]  }
0x23: {  	[tilespmem:s3], [sflag:$0x2] =	stream.linear.gather [hbm4b:s14+s4], $0x80, $0x38;
	[tilespmem:$0x1BE00] =	vst v63  }
0x24: {  	s15 =	rddreg [dreg:$0xa]  }
0x25: {  	[tilespmem:s22], [sflag:$0x2] =	stream.linear.gather [hbm4b:s15+s4], $0x80, $0x38;
	[tilespmem:$0x1BE00] =	vst v63  }
0x26: {  	_ =	swait.ge [sflag:s23], $0x80  }
0x27: {  	[sflag:s23] =	ssyncset.done $0x0  }
0x28: {  	[sflag:s23] =	ssyncadd.s32 $0xFFFFFF80  }
0x29: {  	_ =	swait.ge [sflag:s23], $0x80  }
0x2a: {  	s21 =	rddreg [dreg:$0xb]  }
0x2b: {  	s3 =	sadd.s32 $0xFFFFFFFF, s21  }
0x2c: {  	p2 =	sne.s32 s3, $0x0  }
.Ltmp0:
0x2d: {  	_ = 	snop;
	(pc) =	sbr.rel @!p2 .LBB2_4-.Ltmp0, $4  }
0x2e: {  	s31 =	simm.s32 $0x3  }
0x2f: {  	p1 =	por $0x0, $0x0;
	s29 =	smov.u32 s6;
	[sflag:s23] =	ssyncset.done $0x0  }
0x30: {  	s30 =	smov.u32 s1;
	s0 =	simm.s32 $0x0;
	[sflag:s23] =	ssyncadd.s32 $0xFFFFFF80  }
0x31: {  	[tilespmem:s24], [sflag:$0x3] =	stream.indirect.gather [hbm4b:s5+s22], $0x80, s20, s22, $0xb8;
	[tilespmem:$0x1BE00] =	vst v63  }
0x32: {  	s0 =	rddreg [dreg:$0x4]  }
0x33: {  	p1 =	sle.s32 s0, $0x0  }
0x34: {  	s0 =	simm.s32 @!p1 $0x2  }
0x35: {  	_ =	swait.ge @!p1 [sflag:s0], $0x80  }
0x36: {  	[sflag:s0] =	ssyncset.done @!p1 $0x0  }
0x37: {  	[sflag:s0] =	ssyncadd.s32 @!p1 $0xFFFFFF80  }
0x38: {  	_ =	swait.ge @!p1 [sflag:s0], $0x80  }
0x39: {  	s7 =	simm.s32 @!p1 $0x4200;
	[sflag:s0] =	ssyncset.done @!p1 $0x0  }
0x3a: {  	s11 =	simm.s32 @!p1 $0x80;
	s21 =	simm.s32 @!p1 $0x180;
	[sflag:s0] =	ssyncadd.s32 @!p1 $0xFFFFFF80  }
0x3b: {  	[tilespmem:s7], [sflag:$0x4] =	stream.indirect.gather @!p1 [hbm4b:s5+s11], $0x80, s21, s11, $0xb8;
	[tilespmem:$0x1BE00] =	vst v63  }
0x3c: {  	_ =	swait.ge [sflag:s25], $0x4000  }
0x3d: {  	[sflag:s25] =	ssyncset.done $0x0  }
0x3e: {  	p1 =	sle.u32 s8, $0x2;
	[sflag:s25] =	ssyncadd.s32 $0xFFFFC000  }
0x3f: {  	[spmem:s2] =	stream.indirect.scatter.add.f32 [tilespmem:s24], [sflag:$0x5], $0x80, s4, s22, $0xb8;
	[tilespmem:$0x1BE00] =	vst v63  }
0x40: {  	s0 =	sadd.s32 @!p1 s1, s10;
	_ =	swait.ge [sflag:s19], $0x4000  }
0x41: {  	s7 =	sadd.s32 @!p1 s6, s10;
	s11 =	simm.s32 @!p1 $0x0;
	[sflag:s19] =	ssyncset.done $0x0  }
0x42: {  	s21 =	simm.s32 @!p1 $0x100;
	s0 =	sadd.s32 @!p1 $0x20, s0;
	[sflag:s19] =	ssyncadd.s32 $0xFFFFC000  }
0x43: {  	[tilespmem:s21], [sflag:$0x1] =	stream.linear.gather @!p1 [hbm4b:s0+s11], $0x80, $0x38;
	[tilespmem:$0x1BE00] =	vst v63  }
0x44: {  	s0 =	sadd.s32 @!p1 $0x20, s7;
	s7 =	simm.s32 @!p1 $0x1  }
0x45: {  	[tilespmem:s11], [sflag:$0x1] =	stream.linear.gather @!p1 [hbm4b:s0+s11], $0x80, $0x38;
	[tilespmem:$0x1BE00] =	vst v63  }
0x46: {  	_ =	swait.ge @!p1 [sflag:s7], $0x80  }
0x47: {  	[sflag:s7] =	ssyncset.done @!p1 $0x0  }
0x48: {  	[sflag:s7] =	ssyncadd.s32 @!p1 $0xFFFFFF80  }
0x49: {  	s3 =	sadd.s32 $0xFFFFFFFF, s3;
	s31 =	simm.s32 $0x5;
	_ =	swait.ge @!p1 [sflag:s7], $0x80  }
0x4a: {  	p3 =	sle.u32 s8, $0x3;
	p2 =	sne.s32 s3, $0x0;
	[sflag:s7] =	ssyncset.done @!p1 $0x0  }
0x4b: {  	s0 =	simm.s32 @!p1 $0x80;
	s11 =	simm.s32 @!p1 $0x200;
	[sflag:s7] =	ssyncadd.s32 @!p1 $0xFFFFFF80  }
0x4c: {  	[tilespmem:s11], [sflag:$0x3] =	stream.indirect.gather @!p1 [hbm4b:s5+s0], $0x80, s21, s0, $0xb8;
	[tilespmem:$0x1BE00] =	vst v63  }
.Ltmp1:
0x4d: {  	s29 =	sadd.s32 $0x20, s6;
	_ =	swait.ge [sflag:s26], $0x4000;
	(pc) =	sbr.rel @!p2 .LBB2_4-.Ltmp1, $4  }
0x4e: {  	s30 =	sadd.s32 $0x20, s1;
	s7 =	sadd.s32 @!p3 s6, s10;
	[sflag:s26] =	ssyncset.done $0x0  }
0x4f: {  	s0 =	simm.s32 $0x2;
	s21 =	rddreg [dreg:$0x5];
	[sflag:s26] =	ssyncadd.s32 $0xFFFFC000  }
0x50: {  	[spmem:s2] =	stream.indirect.scatter.add.f32 [tilespmem:s21], [sflag:$0x5], $0x80, s22, s22, $0xb8;
	[tilespmem:$0x1BE00] =	vst v63  }
0x51: {  	s11 =	sadd.s32 @!p3 s1, s10;
	p1 =	por $0x1, $0x1;
	_ =	swait.ge [sflag:s19], $0x4000  }
.LBB2_3:
0x52: {  	s21 =	rddreg [dreg:$0x4];
	[sflag:s19] =	ssyncset.done $0x0;
	s11 =	sadd.s32 @!p3 $0x30, s11  }
0x53: {  	s12 =	simm.s32 @!p3 $0x0;
	s13 =	simm.s32 @!p3 $0x180;
	[sflag:s19] =	ssyncadd.s32 $0xFFFFC000  }
0x54: {  	[tilespmem:s13], [sflag:$0x2] =	stream.linear.gather @!p3 [hbm4b:s11+s12], $0x80, $0x38;
	[tilespmem:$0x1BE00] =	vst v63  }
0x55: {  	s7 =	sadd.s32 @!p3 $0x30, s7;
	p4 =	sge.s32 s0, s21;
	s11 =	simm.s32 @!p3 $0x80  }
0x56: {  	[tilespmem:s11], [sflag:$0x2] =	stream.linear.gather @!p3 [hbm4b:s7+s12], $0x80, $0x38;
	[tilespmem:$0x1BE00] =	vst v63  }
0x57: {  	s12 =	simm.s32 @!p4 $0x2  }
0x58: {  	_ =	swait.ge @!p4 [sflag:s12], $0x80  }
0x59: {  	[sflag:s12] =	ssyncset.done @!p4 $0x0  }
0x5a: {  	[sflag:s12] =	ssyncadd.s32 @!p4 $0xFFFFFF80  }
0x5b: {  	_ =	swait.ge @!p4 [sflag:s12], $0x80  }
0x5c: {  	s13 =	simm.s32 @!p4 $0x4200;
	s14 =	simm.s32 @!p4 $0x180;
	[sflag:s12] =	ssyncset.done @!p4 $0x0  }
0x5d: {  	s7 =	smov.u32 s31;
	s31 =	simm.s32 @!p4 $0x80;
	[sflag:s12] =	ssyncadd.s32 @!p4 $0xFFFFFF80  }
0x5e: {  	[tilespmem:s13], [sflag:$0x4] =	stream.indirect.gather @!p4 [hbm4b:s5+s31], $0x80, s14, s31, $0xb8;
	[tilespmem:$0x1BE00] =	vst v63  }
0x5f: {  	_ =	swait.ge [sflag:s25], $0x4000  }
0x60: {  	s0 =	sadd.s32 $0x2, s0;
	[sflag:s25] =	ssyncset.done $0x0  }
0x61: {  	p3 =	sge.u32 s0, s8;
	[sflag:s25] =	ssyncadd.s32 $0xFFFFC000  }
0x62: {  	[spmem:s2] =	stream.indirect.scatter.add.f32 [tilespmem:s24], [sflag:$0x5], $0x80, s4, s22, $0xb8;
	[tilespmem:$0x1BE00] =	vst v63  }
0x63: {  	s12 =	sadd.s32 @!p3 s30, s10;
	_ =	swait.ge [sflag:s19], $0x4000  }
0x64: {  	s15 =	simm.s32 @!p3 $0x100;
	s12 =	sadd.s32 @!p3 $0x20, s12;
	[sflag:s19] =	ssyncset.done $0x0  }
0x65: {  	s13 =	sadd.s32 @!p3 s29, s10;
	s14 =	simm.s32 @!p3 $0x0;
	[sflag:s19] =	ssyncadd.s32 $0xFFFFC000  }
0x66: {  	[tilespmem:s15], [sflag:$0x1] =	stream.linear.gather @!p3 [hbm4b:s12+s14], $0x80, $0x38;
	[tilespmem:$0x1BE00] =	vst v63  }
0x67: {  	s13 =	sadd.s32 @!p3 $0x20, s13;
	s12 =	simm.s32 @!p3 $0x1  }
0x68: {  	[tilespmem:s14], [sflag:$0x1] =	stream.linear.gather @!p3 [hbm4b:s13+s14], $0x80, $0x38;
	[tilespmem:$0x1BE00] =	vst v63  }
0x69: {  	_ =	swait.ge @!p3 [sflag:s12], $0x80  }
0x6a: {  	[sflag:s12] =	ssyncset.done @!p3 $0x0  }
0x6b: {  	s3 =	sadd.s32 $0xFFFFFFFF, s3;
	[sflag:s12] =	ssyncadd.s32 @!p3 $0xFFFFFF80  }
0x6c: {  	p2 =	sne.s32 s3, $0x0;
	_ =	swait.ge @!p3 [sflag:s12], $0x80  }
0x6d: {  	s21 =	smov.u32 s29;
	s11 =	smov.u32 s30;
	[sflag:s12] =	ssyncset.done @!p3 $0x0  }
0x6e: {  	s13 =	simm.s32 @!p3 $0x80;
	s14 =	simm.s32 @!p3 $0x200;
	[sflag:s12] =	ssyncadd.s32 @!p3 $0xFFFFFF80  }
0x6f: {  	[tilespmem:s14], [sflag:$0x3] =	stream.indirect.gather @!p3 [hbm4b:s5+s13], $0x80, s15, s13, $0xb8;
	[tilespmem:$0x1BE00] =	vst v63  }
.Ltmp2:
0x70: {  	s30 =	sadd.s32 $0x20, s30;
	_ =	swait.ge [sflag:s26], $0x4000;
	(pc) =	sbr.rel @p2 .LBB2_3-.Ltmp2, $4  }
0x71: {  	s31 =	sadd.s32 $0x3, s0;
	s29 =	sadd.s32 $0x20, s29;
	[sflag:s26] =	ssyncset.done $0x0  }
0x72: {  	p3 =	sge.u32 s7, s8;
	s15 =	rddreg [dreg:$0x5];
	[sflag:s26] =	ssyncadd.s32 $0xFFFFC000  }
0x73: {  	[spmem:s2] =	stream.indirect.scatter.add.f32 [tilespmem:s15], [sflag:$0x5], $0x80, s22, s22, $0xb8;
	[tilespmem:$0x1BE00] =	vst v63  }
0x74: {  	s11 =	sadd.s32 @!p3 s11, s10;
	s7 =	sadd.s32 @!p3 s21, s10;
	_ =	swait.ge [sflag:s19], $0x4000  }
.LBB2_4:
0x75: {  	p2 =	por p3, !p1  }
0x76: {  	s3 =	rddreg [dreg:$0x4];
	[sflag:s19] =	ssyncset.done @p1 $0x0;
	s11 =	sadd.s32 @!p2 $0x30, s11  }
0x77: {  	[sflag:s19] =	ssyncadd.s32 @p1 $0xFFFFC000;
	s12 =	simm.s32 @!p2 $0x0;
	s13 =	simm.s32 @!p2 $0x180  }
0x78: {  	[tilespmem:s13], [sflag:$0x2] =	stream.linear.gather @!p2 [hbm4b:s11+s12], $0x80, $0x38;
	[tilespmem:$0x1BE00] =	vst v63  }
0x79: {  	p1 =	sge.s32 s0, s3;
	s3 =	sadd.s32 @!p2 $0x30, s7;
	s7 =	simm.s32 @!p2 $0x80  }
0x7a: {  	[tilespmem:s7], [sflag:$0x2] =	stream.linear.gather @!p2 [hbm4b:s3+s12], $0x80, $0x38;
	[tilespmem:$0x1BE00] =	vst v63  }
0x7b: {  	s3 =	simm.s32 @!p1 $0x2  }
0x7c: {  	_ =	swait.ge @!p1 [sflag:s3], $0x80  }
0x7d: {  	[sflag:s3] =	ssyncset.done @!p1 $0x0  }
0x7e: {  	[sflag:s3] =	ssyncadd.s32 @!p1 $0xFFFFFF80  }
0x7f: {  	_ =	swait.ge @!p1 [sflag:s3], $0x80  }
0x80: {  	s11 =	simm.s32 @!p1 $0x80;
	[sflag:s3] =	ssyncset.done @!p1 $0x0  }
0x81: {  	s7 =	simm.s32 @!p1 $0x4200;
	s12 =	simm.s32 @!p1 $0x180;
	[sflag:s3] =	ssyncadd.s32 @!p1 $0xFFFFFF80  }
0x82: {  	[tilespmem:s7], [sflag:$0x4] =	stream.indirect.gather @!p1 [hbm4b:s5+s11], $0x80, s12, s11, $0xb8;
	[tilespmem:$0x1BE00] =	vst v63  }
0x83: {  	_ =	swait.ge [sflag:s25], $0x4000  }
0x84: {  	s15 =	sadd.s32 $0x2, s0;
	[sflag:s25] =	ssyncset.done $0x0  }
0x85: {  	p1 =	sge.u32 s15, s8;
	[sflag:s25] =	ssyncadd.s32 $0xFFFFC000  }
0x86: {  	[spmem:s2] =	stream.indirect.scatter.add.f32 [tilespmem:s24], [sflag:$0x5], $0x80, s4, s22, $0xb8;
	[tilespmem:$0x1BE00] =	vst v63  }
0x87: {  	s0 =	sadd.s32 @!p1 s30, s10;
	_ =	swait.ge [sflag:s19], $0x4000  }
0x88: {  	s3 =	sadd.s32 @!p1 s29, s10;
	s7 =	simm.s32 @!p1 $0x0;
	[sflag:s19] =	ssyncset.done $0x0  }
0x89: {  	s11 =	simm.s32 @!p1 $0x100;
	s0 =	sadd.s32 @!p1 $0x20, s0;
	[sflag:s19] =	ssyncadd.s32 $0xFFFFC000  }
0x8a: {  	[tilespmem:s11], [sflag:$0x1] =	stream.linear.gather @!p1 [hbm4b:s0+s7], $0x80, $0x38;
	[tilespmem:$0x1BE00] =	vst v63  }
0x8b: {  	s0 =	sadd.s32 @!p1 $0x20, s3;
	s3 =	simm.s32 @!p1 $0x1  }
0x8c: {  	[tilespmem:s7], [sflag:$0x1] =	stream.linear.gather @!p1 [hbm4b:s0+s7], $0x80, $0x38;
	[tilespmem:$0x1BE00] =	vst v63  }
0x8d: {  	_ =	swait.ge @!p1 [sflag:s3], $0x80  }
0x8e: {  	[sflag:s3] =	ssyncset.done @!p1 $0x0  }
0x8f: {  	[sflag:s3] =	ssyncadd.s32 @!p1 $0xFFFFFF80  }
0x90: {  	_ =	swait.ge @!p1 [sflag:s3], $0x80  }
0x91: {  	[sflag:s3] =	ssyncset.done @!p1 $0x0  }
0x92: {  	s0 =	simm.s32 @!p1 $0x80;
	s7 =	simm.s32 @!p1 $0x200;
	[sflag:s3] =	ssyncadd.s32 @!p1 $0xFFFFFF80  }
0x93: {  	[tilespmem:s7], [sflag:$0x3] =	stream.indirect.gather @!p1 [hbm4b:s5+s0], $0x80, s11, s0, $0xb8;
	[tilespmem:$0x1BE00] =	vst v63  }
0x94: {  	_ =	swait.ge [sflag:s26], $0x4000  }
0x95: {  	[sflag:s26] =	ssyncset.done $0x0  }
0x96: {  	p1 =	sge.u32 s31, s8;
	s21 =	rddreg [dreg:$0x5];
	[sflag:s26] =	ssyncadd.s32 $0xFFFFC000  }
0x97: {  	[spmem:s2] =	stream.indirect.scatter.add.f32 [tilespmem:s21], [sflag:$0x5], $0x80, s22, s22, $0xb8;
	[tilespmem:$0x1BE00] =	vst v63  }
0x98: {  	s0 =	sadd.s32 @!p1 s30, s10;
	_ =	swait.ge [sflag:s19], $0x4000  }
0x99: {  	s3 =	sadd.s32 @!p1 s29, s10;
	s7 =	simm.s32 @!p1 $0x0;
	[sflag:s19] =	ssyncset.done $0x0  }
0x9a: {  	s11 =	simm.s32 @!p1 $0x180;
	s0 =	sadd.s32 @!p1 $0x30, s0;
	[sflag:s19] =	ssyncadd.s32 $0xFFFFC000  }
0x9b: {  	[tilespmem:s11], [sflag:$0x2] =	stream.linear.gather @!p1 [hbm4b:s0+s7], $0x80, $0x38;
	[tilespmem:$0x1BE00] =	vst v63  }
0x9c: {  	s0 =	sadd.s32 @!p1 $0x30, s3;
	s3 =	simm.s32 @!p1 $0x80  }
0x9d: {  	[tilespmem:s3], [sflag:$0x2] =	stream.linear.gather @!p1 [hbm4b:s0+s7], $0x80, $0x38;
	[tilespmem:$0x1BE00] =	vst v63  }
0x9e: {  	s0 =	simm.s32 @!p0 $0x3  }
0x9f: {  	_ =	swait.ge @!p0 [sflag:s0], $0x4000  }
0xa0: {  	s3 =	simm.s32 @!p0 $0x0;
	[sflag:s0] =	ssyncset.done @!p0 $0x0  }
0xa1: {  	s7 =	simm.s32 @!p0 $0x200;
	[sflag:s0] =	ssyncadd.s32 @!p0 $0xFFFFC000;
	s0 =	simm.s32 @!p0 $0x80  }
0xa2: {  	[spmem:s2] =	stream.indirect.scatter.add.f32 @!p0 [tilespmem:s7], [sflag:$0x5], $0x80, s3, s0, $0xb8;
	[tilespmem:$0x1BE00] =	vst v63  }
0xa3: {  	s0 =	simm.s32 @!p0 $0x5  }
0xa4: {  	_ =	swait.ge @!p0 [sflag:s0], $0x4000  }
0xa5: {  	s28 =	sadd.s32 $0x1, s28;
	[sflag:s0] =	ssyncset.done @!p0 $0x0  }
0xa6: {  	p1 =	sne.s32 s28, s17;
	[sflag:s0] =	ssyncadd.s32 @!p0 $0xFFFFC000  }
.Ltmp3:
0xa7: {  	[bflag:$0x0] =	sbarrier.arrive $0xFFFF;
	(pc) =	sbr.rel @p1 .LBB2_1-.Ltmp3, $4  }
0xa8: {  	[hbm:s16], [sflag:s9] =	dma.local [spmem:s18], $0x2780  }
0xa9: {  	_ =	swait.ge [sflag:s19], $0x2780  }
0xaa: {  	[sflag:s19] =	ssyncset.done $0x0  }
0xab: {  	[sflag:s19] =	ssyncadd.s32 $0xFFFFD880  }
0xac: {  	_ =	sfence.sel $0x180000  }
0xad: {  	[bflag:$0x0] =	sbarrier.arrive $0xFFFF  }
0xae: {  	_ =	strace $0x90000047  }
0xaf: {  	s0 =	stileid.u32;
	[bflag:$0x2] =	sbarrier.arrive $0xFFFF  }
0xb0: {  	p0 =	sne.s32 s0, $0x0;
	s0 =	rddreg [dreg:$0x3]  }
0xb1: {  	s0 =	sadd.s32 @!p0 $0x100000, s0  }
0xb2: {  	[sflag:s0] =	ssyncadd.tile.s32 @!p0 $0x1;
	_ =	shalt  }
.Lfunc_end2:
_tile_overlayer_lowered:
.L_overlay_start_2:
0xb3: {  	(tag) =	ssettag $0x2  }
0xb4: {  	s0 =	rddreg [dreg:$0x0];
	s2 =	stileid.u32  }
0xb5: {  	s1 =	rddreg [dreg:$0x1];
	p0 =	sne.s32 s2, $0x0  }
0xb6: {  	s3 =	rddreg [dreg:$0x2];
	[bflag:$0x3] =	sbarrier.arrive $0xFFFF;
	s2 =	simm.s32 @!p0 $0x1C05  }
0xb7: {  	[timem:s3], [sflag:s2] =	dma.local @!p0 [hbm:s0], s1  }
0xb8: {  	s0 =	simm.s32 @!p0 $0x5  }
0xb9: {  	_ =	swait.ge @!p0 [sflag:s0], s1  }
0xba: {  	s1 =	ssub.s32 @!p0 $0x0, s1;
	[sflag:s0] =	ssyncset.done @!p0 $0x0  }
0xbb: {  	[sflag:s0] =	ssyncadd.s32 @!p0 s1  }
0xbc: {  	[bflag:$0x3] =	sbarrier.arrive $0xFFFF  }
0xbd: {  	_ =	shalt  }

</sc_bundles>
